<compile_context>
chip_gen: v7x
topology: tpu7x:2x2x1
jax: 0.10.2.dev20260603
libtpu: 0.0.44.dev20260713+nightly
codegen_flags: <defaults>
</compile_context>

<pallas_src>
import functools

import jax
import jax.numpy as jnp
from jax import lax
from jax.experimental import pallas as pl
from jax.experimental.pallas import tpu as pltpu
from jax.experimental.pallas import tpu_sc as plsc

_N = 10000
_E = 320000
_H = 128

_NC = 2
_NS = 16
_NW = _NC * _NS
_B = 80
_EPT = _E // _NW
_RSTRIDE = 624
_RCOPY = 640
_DEGW = 16

_f32 = jnp.float32


_B2 = 80
_CPT = 125
_PH = 5
_PCH = _CPT // _PH
_EPT2 = _B2 * _CPT
_EPAD = _NW * _EPT2
_NTRASH = 2048
_NP = _N + _NTRASH


def _seg_body(u_hbm, esd_hbm, z_hbm, out_hbm,
              ebuf, rows, acc, sem):
    c = lax.axis_index("c")
    s = lax.axis_index("s")
    wid = c * _NS + s
    r0 = s * _RSTRIDE
    pltpu.sync_copy(z_hbm.at[pl.ds(r0, _RCOPY)], acc.at[pl.ds(r0, _RCOPY)])
    plsc.subcore_barrier()
    base = wid * _CPT

    def chunk(k, carry):
        pltpu.sync_copy(esd_hbm.at[pl.ds((base + k) * 8, 8)], ebuf)
        pltpu.async_copy(u_hbm.at[ebuf.at[0]], rows, sem).wait()
        pltpu.sync_copy(rows, acc.at[ebuf.at[1]], add=True)
        return carry

    lax.fori_loop(0, _CPT, chunk, 0)
    plsc.subcore_barrier()
    pltpu.sync_copy(acc.at[pl.ds(r0, _RCOPY)],
                    out_hbm.at[pl.ds(c * _N + r0, _RCOPY)])


_sc_seg = pl.kernel(
    _seg_body,
    out_type=jax.ShapeDtypeStruct((2 * _N, _H), _f32),
    mesh=plsc.VectorSubcoreMesh(core_axis_name="c", subcore_axis_name="s"),
    scratch_types=[
        pltpu.VMEM((8, _B2), jnp.int32),
        pltpu.VMEM((_B2, _H), _f32),
        pltpu.VMEM_SHARED((_NP, _H), _f32),
        pltpu.SemaphoreType.DMA,
    ],
)


def _deg_body(dst_hbm, z_hbm, ones_hbm, out_hbm, idx_d, ones_v, bounce, acc):
    c = lax.axis_index("c")
    s = lax.axis_index("s")
    wid = c * _NS + s
    r0 = s * _RSTRIDE
    pltpu.sync_copy(z_hbm.at[pl.ds(r0, _RCOPY)], bounce)
    pltpu.sync_copy(bounce, acc.at[pl.ds(r0, _RCOPY)])
    pltpu.sync_copy(ones_hbm, ones_v)
    plsc.subcore_barrier()
    base = wid * _EPT

    def chunk(k, carry):
        off = base + k * _B
        pltpu.sync_copy(dst_hbm.at[pl.ds(off, _B)], idx_d)
        pltpu.sync_copy(ones_v, acc.at[idx_d], add=True)
        return carry

    lax.fori_loop(0, _EPT // _B, chunk, 0)
    plsc.subcore_barrier()
    pltpu.sync_copy(acc.at[pl.ds(r0, _RCOPY)], bounce)
    pltpu.sync_copy(bounce, out_hbm.at[pl.ds(c * _N + r0, _RCOPY)])


_sc_deg = pl.kernel(
    _deg_body,
    out_type=jax.ShapeDtypeStruct((2 * _N,), _f32),
    mesh=plsc.VectorSubcoreMesh(core_axis_name="c", subcore_axis_name="s"),
    scratch_types=[
        pltpu.VMEM((_B,), jnp.int32),
        pltpu.VMEM((_B,), _f32),
        pltpu.VMEM((_RCOPY,), _f32),
        pltpu.VMEM_SHARED((_N,), _f32),
    ],
)


_R = 1000
_G = _N // _R


def _mm_body(x_ref, w_ref, o_ref):
    o_ref[...] = jnp.dot(x_ref[...], w_ref[...],
                         preferred_element_type=_f32)


_tc_matmul = pl.pallas_call(
    _mm_body,
    grid=(_G,),
    in_specs=[
        pl.BlockSpec((_R, _H), lambda i: (i, 0)),
        pl.BlockSpec((_H, _H), lambda i: (0, 0)),
    ],
    out_specs=pl.BlockSpec((_R, _H), lambda i: (i, 0)),
    out_shape=jax.ShapeDtypeStruct((_N, _H), _f32),
)


def _scale_body(dga_ref, dgb_ref, p_ref, u_ref, dinv_ref, selfc_ref):
    deg = dga_ref[...] + dgb_ref[...] + 1.0
    dinv = lax.rsqrt(deg)
    selfc = 1.0 / deg
    u_ref[...] = dinv * p_ref[...]
    dinv_ref[...] = dinv
    selfc_ref[...] = selfc


_tc_scale = pl.pallas_call(
    _scale_body,
    grid=(_G,),
    in_specs=[
        pl.BlockSpec((_R, 1), lambda i: (i, 0)),
        pl.BlockSpec((_R, 1), lambda i: (i + _G, 0)),
        pl.BlockSpec((_R, _H), lambda i: (i, 0)),
    ],
    out_specs=[
        pl.BlockSpec((_R, _H), lambda i: (i, 0)),
        pl.BlockSpec((_R, 1), lambda i: (i, 0)),
        pl.BlockSpec((_R, 1), lambda i: (i, 0)),
    ],
    out_shape=[
        jax.ShapeDtypeStruct((_N, _H), _f32),
        jax.ShapeDtypeStruct((_N, 1), _f32),
        jax.ShapeDtypeStruct((_N, 1), _f32),
    ],
)


def _cmb_mm_body(sa_ref, sb_ref, p_ref, dinv_ref, selfc_ref, b_ref, w_ref,
                 pn_ref, un_ref):
    h = (dinv_ref[...] * (sa_ref[...] + sb_ref[...])
         + selfc_ref[...] * p_ref[...] + b_ref[...])
    pn = jnp.dot(h, w_ref[...], preferred_element_type=_f32)
    pn_ref[...] = pn
    un_ref[...] = dinv_ref[...] * pn


_tc_combine_mm = pl.pallas_call(
    _cmb_mm_body,
    grid=(_G,),
    in_specs=[
        pl.BlockSpec((_R, _H), lambda i: (i, 0)),
        pl.BlockSpec((_R, _H), lambda i: (i + _G, 0)),
        pl.BlockSpec((_R, _H), lambda i: (i, 0)),
        pl.BlockSpec((_R, 1), lambda i: (i, 0)),
        pl.BlockSpec((_R, 1), lambda i: (i, 0)),
        pl.BlockSpec((1, _H), lambda i: (0, 0)),
        pl.BlockSpec((_H, _H), lambda i: (0, 0)),
    ],
    out_specs=[
        pl.BlockSpec((_R, _H), lambda i: (i, 0)),
        pl.BlockSpec((_R, _H), lambda i: (i, 0)),
    ],
    out_shape=[
        jax.ShapeDtypeStruct((_N, _H), _f32),
        jax.ShapeDtypeStruct((_N, _H), _f32),
    ],
)


def _cmb_body(sa_ref, sb_ref, p_ref, dinv_ref, selfc_ref, b_ref, h_ref):
    h_ref[...] = (dinv_ref[...] * (sa_ref[...] + sb_ref[...])
                  + selfc_ref[...] * p_ref[...] + b_ref[...])


_tc_combine = pl.pallas_call(
    _cmb_body,
    grid=(_G,),
    in_specs=[
        pl.BlockSpec((_R, _H), lambda i: (i, 0)),
        pl.BlockSpec((_R, _H), lambda i: (i + _G, 0)),
        pl.BlockSpec((_R, _H), lambda i: (i, 0)),
        pl.BlockSpec((_R, 1), lambda i: (i, 0)),
        pl.BlockSpec((_R, 1), lambda i: (i, 0)),
        pl.BlockSpec((1, _H), lambda i: (0, 0)),
    ],
    out_specs=pl.BlockSpec((_R, _H), lambda i: (i, 0)),
    out_shape=jax.ShapeDtypeStruct((_N, _H), _f32),
)


def _elu(v):
    return jnp.where(v > 0, v, jnp.exp(v) - 1.0)


def _gin_body(h3_ref, sa_ref, sb_ref,
              wp1_ref, bp1_ref, wp2_ref, bp2_ref,
              wv1_ref, bv1_ref, wv2_ref, bv2_ref,
              proba_ref, value_ref, accv_ref):
    i = pl.program_id(0)
    g = h3_ref[...] + sa_ref[...] + sb_ref[...]
    tp = _elu(jnp.dot(g, wp1_ref[...], preferred_element_type=_f32)
              + bp1_ref[...])
    proba_ref[...] = (jnp.dot(tp, wp2_ref[...], preferred_element_type=_f32)
                      + bp2_ref[...])
    tv = _elu(jnp.dot(g, wv1_ref[...], preferred_element_type=_f32)
              + bv1_ref[...])
    sv = jnp.sum(tv, axis=0, keepdims=True)

    @pl.when(i == 0)
    def _():
        accv_ref[...] = sv

    @pl.when(i > 0)
    def _():
        accv_ref[...] += sv

    @pl.when(i == pl.num_programs(0) - 1)
    def _():
        value_ref[...] = (jnp.dot(accv_ref[...] / _N, wv2_ref[...],
                                  preferred_element_type=_f32)
                          + bv2_ref[...])


_tc_gin = pl.pallas_call(
    _gin_body,
    grid=(_G,),
    in_specs=[
        pl.BlockSpec((_R, _H), lambda i: (i, 0)),
        pl.BlockSpec((_R, _H), lambda i: (i, 0)),
        pl.BlockSpec((_R, _H), lambda i: (i + _G, 0)),
        pl.BlockSpec((_H, _H), lambda i: (0, 0)),
        pl.BlockSpec((1, _H), lambda i: (0, 0)),
        pl.BlockSpec((_H, 1), lambda i: (0, 0)),
        pl.BlockSpec((1, 1), lambda i: (0, 0)),
        pl.BlockSpec((_H, _H), lambda i: (0, 0)),
        pl.BlockSpec((1, _H), lambda i: (0, 0)),
        pl.BlockSpec((_H, 1), lambda i: (0, 0)),
        pl.BlockSpec((1, 1), lambda i: (0, 0)),
    ],
    out_specs=[
        pl.BlockSpec((_R, 1), lambda i: (i, 0)),
        pl.BlockSpec((1, 1), lambda i: (0, 0)),
    ],
    out_shape=[
        jax.ShapeDtypeStruct((_N, 1), _f32),
        jax.ShapeDtypeStruct((1, 1), _f32),
    ],
    scratch_shapes=[pltpu.VMEM((1, _H), _f32)],
)


def kernel(x, edge_index, W1, b1, W2, b2, W3, b3,
           Wv1, bv1, Wv2, bv2, Wp1, bp1, Wp2, bp2):
    src = edge_index[0]
    dst = edge_index[1]
    nch = _NW * _CPT
    esd = jnp.concatenate(
        [src.reshape(nch, 1, _B2), dst.reshape(nch, 1, _B2),
         jnp.zeros((nch, 6, _B2), jnp.int32)], axis=1).reshape(nch * 8, _B2)
    z128 = jnp.zeros((_N, _H), _f32)
    z1 = jnp.zeros((_N,), _f32)
    ones1 = jnp.ones((_B,), _f32)
    b1r = b1.reshape(1, _H)
    b2r = b2.reshape(1, _H)
    b3r = b3.reshape(1, _H)

    dg = _sc_deg(dst, z1, ones1).reshape(2 * _N, 1)
    p1 = _tc_matmul(x, W1)
    u1, dinv, selfc = _tc_scale(dg, dg, p1)
    s1 = _sc_seg(u1, esd, z128)
    p2, u2 = _tc_combine_mm(s1, s1, p1, dinv, selfc, b1r, W2)
    s2 = _sc_seg(u2, esd, z128)
    p3, u3 = _tc_combine_mm(s2, s2, p2, dinv, selfc, b2r, W3)
    s3 = _sc_seg(u3, esd, z128)
    h3 = _tc_combine(s3, s3, p3, dinv, selfc, b3r)
    s4 = _sc_seg(h3, esd, z128)
    proba, value = _tc_gin(h3, s4, s4, Wp1, bp1.reshape(1, _H), Wp2,
                           bp2.reshape(1, 1), Wv1, bv1.reshape(1, _H), Wv2,
                           bv2.reshape(1, 1))
    return proba, value

# --- scband reference (transcript-rebuilt; emitter-appended) ---
"""Pipeline reference for scband-gatiso-net-77403900609166 (READ-ONLY COPY).

The authoritative reference and input builder live on the scoring server;
editing this copy changes nothing except your own understanding.
"""

import jax, jax.numpy as jnp
import numpy as np

N = 10000
E = 320000
D_IN = 128
H = 128


def gcn_conv(x, edge_index, W, b):
    n = x.shape[0]
    loop = jnp.arange(n, dtype=edge_index.dtype)
    src = jnp.concatenate([edge_index[0], loop])
    dst = jnp.concatenate([edge_index[1], loop])
    deg = jax.ops.segment_sum(jnp.ones(src.shape[0], dtype=x.dtype), dst, num_segments=n)
    dinv = jnp.where(deg > 0, deg ** -0.5, 0.0)
    norm = dinv[src] * dinv[dst]
    h = x @ W
    msgs = h[src] * norm[:, None]
    out = jax.ops.segment_sum(msgs, dst, num_segments=n)
    return out + b


def gin_conv(x, edge_index, W1, b1, W2, b2, eps=0.0):
    n = x.shape[0]
    agg = jax.ops.segment_sum(x[edge_index[0]], edge_index[1], num_segments=n)
    h = (1.0 + eps) * x + agg
    h = jax.nn.elu(h @ W1 + b1)
    return h @ W2 + b2


def setup_inputs(seed: int = 0):
    key = jax.random.key(seed)
    ks = jax.random.split(key, 20)
    x = jax.random.normal(ks[0], (N, D_IN), dtype=jnp.float32)
    edge_index = jax.random.randint(ks[1], (2, E), 0, N, dtype=jnp.int32)
    s_in = 1.0 / np.sqrt(D_IN)
    s_h = 1.0 / np.sqrt(H)
    inp = {
        'x': x,
        'edge_index': edge_index,
        'W1': jax.random.normal(ks[2], (D_IN, H), dtype=jnp.float32) * s_in,
        'b1': jnp.zeros((H,), dtype=jnp.float32),
        'W2': jax.random.normal(ks[3], (H, H), dtype=jnp.float32) * s_h,
        'b2': jnp.zeros((H,), dtype=jnp.float32),
        'W3': jax.random.normal(ks[4], (H, H), dtype=jnp.float32) * s_h,
        'b3': jnp.zeros((H,), dtype=jnp.float32),
        'Wv1': jax.random.normal(ks[5], (H, H), dtype=jnp.float32) * s_h,
        'bv1': jnp.zeros((H,), dtype=jnp.float32),
        'Wv2': jax.random.normal(ks[6], (H, 1), dtype=jnp.float32) * s_h,
        'bv2': jnp.zeros((1,), dtype=jnp.float32),
        'Wp1': jax.random.normal(ks[7], (H, H), dtype=jnp.float32) * s_h,
        'bp1': jnp.zeros((H,), dtype=jnp.float32),
        'Wp2': jax.random.normal(ks[8], (H, 1), dtype=jnp.float32) * s_h,
        'bp2': jnp.zeros((1,), dtype=jnp.float32),
    }
    return inp


def reference(x, edge_index, W1, b1, W2, b2, W3, b3, Wv1, bv1, Wv2, bv2, Wp1, bp1, Wp2, bp2):
    h = gcn_conv(x, edge_index, W1, b1)
    h = gcn_conv(h, edge_index, W2, b2)
    h = gcn_conv(h, edge_index, W3, b3)
    mean_val = gin_conv(h, edge_index, Wv1, bv1, Wv2, bv2)
    value = jnp.mean(mean_val, axis=0, keepdims=True)
    proba = gin_conv(h, edge_index, Wp1, bp1, Wp2, bp2)
    return (proba, value)

if __name__ == "__main__":
    import jax
    _d = setup_inputs()
    print(jax.jit(kernel)(*tuple(_d.values())))

</pallas_src>

<mosaic_0001>
#map = affine_map<(d0, d1) -> (0, 0)>
module attributes {stable_mosaic.version = 14 : i64} {
  func.func @_seg_body(%arg0: i32, %arg1: i32, %arg2: memref<10000x128xf32, #tpu.memory_space<hbm>>, %arg3: memref<32000x80xi32, #tpu.memory_space<hbm>>, %arg4: memref<10000x128xf32, #tpu.memory_space<hbm>>, %arg5: memref<20000x128xf32, #tpu.memory_space<hbm>>, %arg6: memref<8x80xi32, #tpu.memory_space<vmem>>, %arg7: memref<80x128xf32, #tpu.memory_space<vmem>>, %arg8: memref<12048x128xf32, #tpu.memory_space<vmem_shared>>, %arg9: memref<!tpu.dma_semaphore, #tpu.memory_space<semaphore_mem>>) attributes {dimension_semantics = [#tpu.dimension_semantics<core_parallel>, #tpu.dimension_semantics<subcore_parallel>], iteration_bounds = array<i64: 2, 16>, scalar_prefetch = 0 : i64, scratch_operands = 4 : i64, tpu.core_type = #tpu.core_type<sc_vector_subcore>, window_params = [{transform_indices = #map}, {transform_indices = #map}, {transform_indices = #map}, {transform_indices = #map}]} {
    %mul3A = arith.constant 16 : i32
    %mul3A_0 = arith.muli %arg0, %mul3A : i32
    %add3A = arith.addi %mul3A_0, %arg1 : i32
    %mul3A_1 = arith.constant 624 : i32
    %mul3A_2 = arith.muli %arg1, %mul3A_1 : i32
    "tpu.region"() ({
      %run_scoped3A = tpu.sem_alloc : memref<!tpu.dma_semaphore, #tpu.memory_space<semaphore_mem>>
      %dma_start3A = arith.constant 0 : i32
      %dma_start3A_14 = tpu.memref_slice %arg8[%mul3A_2, %dma_start3A] : memref<12048x128xf32, #tpu.memory_space<vmem_shared>> -> memref<640x128xf32, #tpu.memory_space<vmem_shared>>
      %dma_start3A_15 = arith.constant 0 : i32
      %dma_start3A_16 = tpu.memref_slice %arg4[%mul3A_2, %dma_start3A_15] : memref<10000x128xf32, #tpu.memory_space<hbm>> -> memref<640x128xf32, #tpu.memory_space<hbm>>
      tpu.enqueue_dma source(%dma_start3A_16 : memref<640x128xf32, #tpu.memory_space<hbm>>) target(%dma_start3A_14 : memref<640x128xf32, #tpu.memory_space<vmem_shared>>) target_semaphore(%run_scoped3A : memref<!tpu.dma_semaphore, #tpu.memory_space<semaphore_mem>>)
      %dma_wait3A = arith.constant 0 : i32
      %dma_wait3A_17 = tpu.memref_slice %arg8[%mul3A_2, %dma_wait3A] : memref<12048x128xf32, #tpu.memory_space<vmem_shared>> -> memref<640x128xf32, #tpu.memory_space<vmem_shared>>
      %dma_wait3A_18 = arith.constant 0 : i32
      %dma_wait3A_19 = tpu.memref_slice %arg4[%mul3A_2, %dma_wait3A_18] : memref<10000x128xf32, #tpu.memory_space<hbm>> -> memref<640x128xf32, #tpu.memory_space<hbm>>
      tpu.wait_dma2 semaphore(%run_scoped3A : memref<!tpu.dma_semaphore, #tpu.memory_space<semaphore_mem>>) src(%dma_wait3A_19 : memref<640x128xf32, #tpu.memory_space<hbm>>) dst(%dma_wait3A_17 : memref<640x128xf32, #tpu.memory_space<vmem_shared>>)
      tpu.yield
    }) : () -> ()
    %barrier3A = arith.constant 0 : index
    tpu.barrier barrier_id(%barrier3A)
    %mul3A_3 = arith.constant 125 : i32
    %mul3A_4 = arith.muli %add3A, %mul3A_3 : i32
    %scan3A = arith.constant 0 : i32
    %scan3A_5 = arith.constant 0 : i32
    %scan3A_6 = arith.constant 125 : i32
    %scan3A_7 = arith.addi %scan3A_5, %scan3A_6 : i32
    %scan3A_8 = arith.constant 1 : i32
    scf.for %scan3A_14 = %scan3A_5 to %scan3A_7 step %scan3A_8  : i32 {
      %add3A_15 = arith.addi %mul3A_4, %scan3A_14 : i32
      %mul3A_16 = arith.constant 8 : i32
      %mul3A_17 = arith.muli %add3A_15, %mul3A_16 : i32
      "tpu.region"() ({
        %run_scoped3A_30 = tpu.sem_alloc : memref<!tpu.dma_semaphore, #tpu.memory_space<semaphore_mem>>
        %dma_start3A_31 = arith.constant 0 : i32
        %dma_start3A_32 = tpu.memref_slice %arg3[%mul3A_17, %dma_start3A_31] : memref<32000x80xi32, #tpu.memory_space<hbm>> -> memref<8x80xi32, #tpu.memory_space<hbm>>
        %dma_start3A_33 = arith.constant 0 : i32
        %dma_start3A_34 = tpu.memref_slice %arg3[%mul3A_17, %dma_start3A_33] : memref<32000x80xi32, #tpu.memory_space<hbm>> -> memref<8x80xi32, #tpu.memory_space<hbm>>
        tpu.enqueue_dma source(%dma_start3A_34 : memref<8x80xi32, #tpu.memory_space<hbm>>) target(%arg6 : memref<8x80xi32, #tpu.memory_space<vmem>>) target_semaphore(%run_scoped3A_30 : memref<!tpu.dma_semaphore, #tpu.memory_space<semaphore_mem>>)
        %dma_wait3A_35 = arith.constant 0 : i32
        %dma_wait3A_36 = tpu.memref_slice %arg3[%mul3A_17, %dma_wait3A_35] : memref<32000x80xi32, #tpu.memory_space<hbm>> -> memref<8x80xi32, #tpu.memory_space<hbm>>
        %dma_wait3A_37 = arith.constant 0 : i32
        %dma_wait3A_38 = tpu.memref_slice %arg3[%mul3A_17, %dma_wait3A_37] : memref<32000x80xi32, #tpu.memory_space<hbm>> -> memref<8x80xi32, #tpu.memory_space<hbm>>
        tpu.wait_dma2 semaphore(%run_scoped3A_30 : memref<!tpu.dma_semaphore, #tpu.memory_space<semaphore_mem>>) src(%dma_wait3A_38 : memref<8x80xi32, #tpu.memory_space<hbm>>) dst(%arg6 : memref<8x80xi32, #tpu.memory_space<vmem>>)
        tpu.yield
      }) : () -> ()
      %dma_start3A = arith.constant 0 : i32
      %dma_start3A_18 = arith.constant 0 : i32
      %dma_start3A_19 = tpu.memref_slice %arg6[%dma_start3A, %dma_start3A_18] : memref<8x80xi32, #tpu.memory_space<vmem>> -> memref<1x80xi32, #tpu.memory_space<vmem>>
      %dma_start3A_20 = tpu.memref_squeeze %dma_start3A_19 : memref<1x80xi32, #tpu.memory_space<vmem>> -> memref<80xi32, #tpu.memory_space<vmem>>
      %dma_start3A_21 = arith.constant 0 : i32
      %dma_start3A_22 = arith.constant 0 : i32
      %dma_start3A_23 = tpu.memref_slice %arg2[%dma_start3A_21, %dma_start3A_22] : memref<10000x128xf32, #tpu.memory_space<hbm>> -> memref<10000x128xf32, #tpu.memory_space<hbm>>
      tpu.enqueue_indirect_dma source(%dma_start3A_23 : memref<10000x128xf32, #tpu.memory_space<hbm>>) target(%arg7 : memref<80x128xf32, #tpu.memory_space<vmem>>) offsets(%dma_start3A_20 : memref<80xi32, #tpu.memory_space<vmem>>) semaphore(%arg9 : memref<!tpu.dma_semaphore, #tpu.memory_space<semaphore_mem>>)
      %dma_wait3A = arith.constant 0 : i32
      %dma_wait3A_24 = arith.constant 0 : i32
      %dma_wait3A_25 = tpu.memref_slice %arg6[%dma_wait3A, %dma_wait3A_24] : memref<8x80xi32, #tpu.memory_space<vmem>> -> memref<1x80xi32, #tpu.memory_space<vmem>>
      %dma_wait3A_26 = tpu.memref_squeeze %dma_wait3A_25 : memref<1x80xi32, #tpu.memory_space<vmem>> -> memref<80xi32, #tpu.memory_space<vmem>>
      %dma_wait3A_27 = arith.constant 0 : i32
      %dma_wait3A_28 = arith.constant 0 : i32
      %dma_wait3A_29 = tpu.memref_slice %arg2[%dma_wait3A_27, %dma_wait3A_28] : memref<10000x128xf32, #tpu.memory_space<hbm>> -> memref<10000x128xf32, #tpu.memory_space<hbm>>
      tpu.wait_indirect_dma semaphore(%arg9 : memref<!tpu.dma_semaphore, #tpu.memory_space<semaphore_mem>>) src(%dma_wait3A_29 : memref<10000x128xf32, #tpu.memory_space<hbm>>) dst(%arg7 : memref<80x128xf32, #tpu.memory_space<vmem>>)
      %run_scoped3A = arith.constant 1 : i32
      "tpu.region"() ({
        %run_scoped3A_30 = tpu.sem_alloc : memref<!tpu.dma_semaphore, #tpu.memory_space<semaphore_mem>>
        %dma_start3A_31 = arith.constant 0 : i32
        %dma_start3A_32 = tpu.memref_slice %arg6[%run_scoped3A, %dma_start3A_31] : memref<8x80xi32, #tpu.memory_space<vmem>> -> memref<1x80xi32, #tpu.memory_space<vmem>>
        %dma_start3A_33 = tpu.memref_squeeze %dma_start3A_32 : memref<1x80xi32, #tpu.memory_space<vmem>> -> memref<80xi32, #tpu.memory_space<vmem>>
        %dma_start3A_34 = arith.constant 0 : i32
        %dma_start3A_35 = arith.constant 0 : i32
        %dma_start3A_36 = tpu.memref_slice %arg8[%dma_start3A_34, %dma_start3A_35] : memref<12048x128xf32, #tpu.memory_space<vmem_shared>> -> memref<12048x128xf32, #tpu.memory_space<vmem_shared>>
        tpu.enqueue_indirect_dma source(%arg7 : memref<80x128xf32, #tpu.memory_space<vmem>>) target(%dma_start3A_36 : memref<12048x128xf32, #tpu.memory_space<vmem_shared>>) offsets(%dma_start3A_33 : memref<80xi32, #tpu.memory_space<vmem>>) semaphore(%run_scoped3A_30 : memref<!tpu.dma_semaphore, #tpu.memory_space<semaphore_mem>>) {add = true}
        %dma_wait3A_37 = arith.constant 0 : i32
        %dma_wait3A_38 = tpu.memref_slice %arg6[%run_scoped3A, %dma_wait3A_37] : memref<8x80xi32, #tpu.memory_space<vmem>> -> memref<1x80xi32, #tpu.memory_space<vmem>>
        %dma_wait3A_39 = tpu.memref_squeeze %dma_wait3A_38 : memref<1x80xi32, #tpu.memory_space<vmem>> -> memref<80xi32, #tpu.memory_space<vmem>>
        %dma_wait3A_40 = arith.constant 0 : i32
        %dma_wait3A_41 = arith.constant 0 : i32
        %dma_wait3A_42 = tpu.memref_slice %arg8[%dma_wait3A_40, %dma_wait3A_41] : memref<12048x128xf32, #tpu.memory_space<vmem_shared>> -> memref<12048x128xf32, #tpu.memory_space<vmem_shared>>
        tpu.wait_indirect_dma semaphore(%run_scoped3A_30 : memref<!tpu.dma_semaphore, #tpu.memory_space<semaphore_mem>>) src(%arg7 : memref<80x128xf32, #tpu.memory_space<vmem>>) dst(%dma_wait3A_42 : memref<12048x128xf32, #tpu.memory_space<vmem_shared>>)
        tpu.yield
      }) : () -> ()
    }
    %scan3A_9 = arith.constant 125 : i32
    %barrier3A_10 = arith.constant 0 : index
    tpu.barrier barrier_id(%barrier3A_10)
    %mul3A_11 = arith.constant 10000 : i32
    %mul3A_12 = arith.muli %arg0, %mul3A_11 : i32
    %add3A_13 = arith.addi %mul3A_12, %mul3A_2 : i32
    "tpu.region"() ({
      %run_scoped3A = tpu.sem_alloc : memref<!tpu.dma_semaphore, #tpu.memory_space<semaphore_mem>>
      %dma_start3A = arith.constant 0 : i32
      %dma_start3A_14 = tpu.memref_slice %arg5[%add3A_13, %dma_start3A] : memref<20000x128xf32, #tpu.memory_space<hbm>> -> memref<640x128xf32, #tpu.memory_space<hbm>>
      %dma_start3A_15 = arith.constant 0 : i32
      %dma_start3A_16 = tpu.memref_slice %arg8[%mul3A_2, %dma_start3A_15] : memref<12048x128xf32, #tpu.memory_space<vmem_shared>> -> memref<640x128xf32, #tpu.memory_space<vmem_shared>>
      tpu.enqueue_dma source(%dma_start3A_16 : memref<640x128xf32, #tpu.memory_space<vmem_shared>>) target(%dma_start3A_14 : memref<640x128xf32, #tpu.memory_space<hbm>>) target_semaphore(%run_scoped3A : memref<!tpu.dma_semaphore, #tpu.memory_space<semaphore_mem>>)
      %dma_wait3A = arith.constant 0 : i32
      %dma_wait3A_17 = tpu.memref_slice %arg5[%add3A_13, %dma_wait3A] : memref<20000x128xf32, #tpu.memory_space<hbm>> -> memref<640x128xf32, #tpu.memory_space<hbm>>
      %dma_wait3A_18 = arith.constant 0 : i32
      %dma_wait3A_19 = tpu.memref_slice %arg8[%mul3A_2, %dma_wait3A_18] : memref<12048x128xf32, #tpu.memory_space<vmem_shared>> -> memref<640x128xf32, #tpu.memory_space<vmem_shared>>
      tpu.wait_dma2 semaphore(%run_scoped3A : memref<!tpu.dma_semaphore, #tpu.memory_space<semaphore_mem>>) src(%dma_wait3A_19 : memref<640x128xf32, #tpu.memory_space<vmem_shared>>) dst(%dma_wait3A_17 : memref<640x128xf32, #tpu.memory_space<hbm>>)
      tpu.yield
    }) : () -> ()
    return
  }
}

#map = affine_map<(d0, d1) -> (0)>
module attributes {stable_mosaic.version = 14 : i64} {
  func.func @_deg_body(%arg0: i32, %arg1: i32, %arg2: memref<320000xi32, #tpu.memory_space<hbm>>, %arg3: memref<10000xf32, #tpu.memory_space<hbm>>, %arg4: memref<80xf32, #tpu.memory_space<hbm>>, %arg5: memref<20000xf32, #tpu.memory_space<hbm>>, %arg6: memref<80xi32, #tpu.memory_space<vmem>>, %arg7: memref<80xf32, #tpu.memory_space<vmem>>, %arg8: memref<640xf32, #tpu.memory_space<vmem>>, %arg9: memref<10000xf32, #tpu.memory_space<vmem_shared>>) attributes {dimension_semantics = [#tpu.dimension_semantics<core_parallel>, #tpu.dimension_semantics<subcore_parallel>], iteration_bounds = array<i64: 2, 16>, scalar_prefetch = 0 : i64, scratch_operands = 4 : i64, tpu.core_type = #tpu.core_type<sc_vector_subcore>, window_params = [{transform_indices = #map}, {transform_indices = #map}, {transform_indices = #map}, {transform_indices = #map}]} {
    %mul3A = arith.constant 16 : i32
    %mul3A_0 = arith.muli %arg0, %mul3A : i32
    %add3A = arith.addi %mul3A_0, %arg1 : i32
    %mul3A_1 = arith.constant 624 : i32
    %mul3A_2 = arith.muli %arg1, %mul3A_1 : i32
    "tpu.region"() ({
      %run_scoped3A = tpu.sem_alloc : memref<!tpu.dma_semaphore, #tpu.memory_space<semaphore_mem>>
      %dma_start3A = tpu.memref_slice %arg3[%mul3A_2] : memref<10000xf32, #tpu.memory_space<hbm>> -> memref<640xf32, #tpu.memory_space<hbm>>
      %dma_start3A_14 = tpu.memref_slice %arg3[%mul3A_2] : memref<10000xf32, #tpu.memory_space<hbm>> -> memref<640xf32, #tpu.memory_space<hbm>>
      tpu.enqueue_dma source(%dma_start3A_14 : memref<640xf32, #tpu.memory_space<hbm>>) target(%arg8 : memref<640xf32, #tpu.memory_space<vmem>>) target_semaphore(%run_scoped3A : memref<!tpu.dma_semaphore, #tpu.memory_space<semaphore_mem>>)
      %dma_wait3A = tpu.memref_slice %arg3[%mul3A_2] : memref<10000xf32, #tpu.memory_space<hbm>> -> memref<640xf32, #tpu.memory_space<hbm>>
      %dma_wait3A_15 = tpu.memref_slice %arg3[%mul3A_2] : memref<10000xf32, #tpu.memory_space<hbm>> -> memref<640xf32, #tpu.memory_space<hbm>>
      tpu.wait_dma2 semaphore(%run_scoped3A : memref<!tpu.dma_semaphore, #tpu.memory_space<semaphore_mem>>) src(%dma_wait3A_15 : memref<640xf32, #tpu.memory_space<hbm>>) dst(%arg8 : memref<640xf32, #tpu.memory_space<vmem>>)
      tpu.yield
    }) : () -> ()
    "tpu.region"() ({
      %run_scoped3A = tpu.sem_alloc : memref<!tpu.dma_semaphore, #tpu.memory_space<semaphore_mem>>
      %dma_start3A = tpu.memref_slice %arg9[%mul3A_2] : memref<10000xf32, #tpu.memory_space<vmem_shared>> -> memref<640xf32, #tpu.memory_space<vmem_shared>>
      %dma_start3A_14 = tpu.memref_slice %arg9[%mul3A_2] : memref<10000xf32, #tpu.memory_space<vmem_shared>> -> memref<640xf32, #tpu.memory_space<vmem_shared>>
      tpu.enqueue_dma source(%arg8 : memref<640xf32, #tpu.memory_space<vmem>>) target(%dma_start3A_14 : memref<640xf32, #tpu.memory_space<vmem_shared>>) target_semaphore(%run_scoped3A : memref<!tpu.dma_semaphore, #tpu.memory_space<semaphore_mem>>)
      %dma_wait3A = tpu.memref_slice %arg9[%mul3A_2] : memref<10000xf32, #tpu.memory_space<vmem_shared>> -> memref<640xf32, #tpu.memory_space<vmem_shared>>
      %dma_wait3A_15 = tpu.memref_slice %arg9[%mul3A_2] : memref<10000xf32, #tpu.memory_space<vmem_shared>> -> memref<640xf32, #tpu.memory_space<vmem_shared>>
      tpu.wait_dma2 semaphore(%run_scoped3A : memref<!tpu.dma_semaphore, #tpu.memory_space<semaphore_mem>>) src(%arg8 : memref<640xf32, #tpu.memory_space<vmem>>) dst(%dma_wait3A_15 : memref<640xf32, #tpu.memory_space<vmem_shared>>)
      tpu.yield
    }) : () -> ()
    "tpu.region"() ({
      %run_scoped3A = tpu.sem_alloc : memref<!tpu.dma_semaphore, #tpu.memory_space<semaphore_mem>>
      tpu.enqueue_dma source(%arg4 : memref<80xf32, #tpu.memory_space<hbm>>) target(%arg7 : memref<80xf32, #tpu.memory_space<vmem>>) target_semaphore(%run_scoped3A : memref<!tpu.dma_semaphore, #tpu.memory_space<semaphore_mem>>)
      tpu.wait_dma2 semaphore(%run_scoped3A : memref<!tpu.dma_semaphore, #tpu.memory_space<semaphore_mem>>) src(%arg4 : memref<80xf32, #tpu.memory_space<hbm>>) dst(%arg7 : memref<80xf32, #tpu.memory_space<vmem>>)
      tpu.yield
    }) : () -> ()
    %barrier3A = arith.constant 0 : index
    tpu.barrier barrier_id(%barrier3A)
    %mul3A_3 = arith.constant 10000 : i32
    %mul3A_4 = arith.muli %add3A, %mul3A_3 : i32
    %scan3A = arith.constant 0 : i32
    %scan3A_5 = arith.constant 0 : i32
    %scan3A_6 = arith.constant 125 : i32
    %scan3A_7 = arith.addi %scan3A_5, %scan3A_6 : i32
    %scan3A_8 = arith.constant 1 : i32
    scf.for %scan3A_14 = %scan3A_5 to %scan3A_7 step %scan3A_8  : i32 {
      %mul3A_15 = arith.constant 80 : i32
      %mul3A_16 = arith.muli %scan3A_14, %mul3A_15 : i32
      %add3A_17 = arith.addi %mul3A_4, %mul3A_16 : i32
      "tpu.region"() ({
        %run_scoped3A = tpu.sem_alloc : memref<!tpu.dma_semaphore, #tpu.memory_space<semaphore_mem>>
        %dma_start3A = tpu.memref_slice %arg2[%add3A_17] : memref<320000xi32, #tpu.memory_space<hbm>> -> memref<80xi32, #tpu.memory_space<hbm>>
        %dma_start3A_18 = tpu.memref_slice %arg2[%add3A_17] : memref<320000xi32, #tpu.memory_space<hbm>> -> memref<80xi32, #tpu.memory_space<hbm>>
        tpu.enqueue_dma source(%dma_start3A_18 : memref<80xi32, #tpu.memory_space<hbm>>) target(%arg6 : memref<80xi32, #tpu.memory_space<vmem>>) target_semaphore(%run_scoped3A : memref<!tpu.dma_semaphore, #tpu.memory_space<semaphore_mem>>)
        %dma_wait3A = tpu.memref_slice %arg2[%add3A_17] : memref<320000xi32, #tpu.memory_space<hbm>> -> memref<80xi32, #tpu.memory_space<hbm>>
        %dma_wait3A_19 = tpu.memref_slice %arg2[%add3A_17] : memref<320000xi32, #tpu.memory_space<hbm>> -> memref<80xi32, #tpu.memory_space<hbm>>
        tpu.wait_dma2 semaphore(%run_scoped3A : memref<!tpu.dma_semaphore, #tpu.memory_space<semaphore_mem>>) src(%dma_wait3A_19 : memref<80xi32, #tpu.memory_space<hbm>>) dst(%arg6 : memref<80xi32, #tpu.memory_space<vmem>>)
        tpu.yield
      }) : () -> ()
      "tpu.region"() ({
        %run_scoped3A = tpu.sem_alloc : memref<!tpu.dma_semaphore, #tpu.memory_space<semaphore_mem>>
        %dma_start3A = arith.constant 0 : i32
        %dma_start3A_18 = tpu.memref_slice %arg9[%dma_start3A] : memref<10000xf32, #tpu.memory_space<vmem_shared>> -> memref<10000xf32, #tpu.memory_space<vmem_shared>>
        tpu.enqueue_indirect_dma source(%arg7 : memref<80xf32, #tpu.memory_space<vmem>>) target(%dma_start3A_18 : memref<10000xf32, #tpu.memory_space<vmem_shared>>) offsets(%arg6 : memref<80xi32, #tpu.memory_space<vmem>>) semaphore(%run_scoped3A : memref<!tpu.dma_semaphore, #tpu.memory_space<semaphore_mem>>) {add = true}
        %dma_wait3A = arith.constant 0 : i32
        %dma_wait3A_19 = tpu.memref_slice %arg9[%dma_wait3A] : memref<10000xf32, #tpu.memory_space<vmem_shared>> -> memref<10000xf32, #tpu.memory_space<vmem_shared>>
        tpu.wait_indirect_dma semaphore(%run_scoped3A : memref<!tpu.dma_semaphore, #tpu.memory_space<semaphore_mem>>) src(%arg7 : memref<80xf32, #tpu.memory_space<vmem>>) dst(%dma_wait3A_19 : memref<10000xf32, #tpu.memory_space<vmem_shared>>)
        tpu.yield
      }) : () -> ()
    }
    %scan3A_9 = arith.constant 125 : i32
    %barrier3A_10 = arith.constant 0 : index
    tpu.barrier barrier_id(%barrier3A_10)
    "tpu.region"() ({
      %run_scoped3A = tpu.sem_alloc : memref<!tpu.dma_semaphore, #tpu.memory_space<semaphore_mem>>
      %dma_start3A = tpu.memref_slice %arg9[%mul3A_2] : memref<10000xf32, #tpu.memory_space<vmem_shared>> -> memref<640xf32, #tpu.memory_space<vmem_shared>>
      %dma_start3A_14 = tpu.memref_slice %arg9[%mul3A_2] : memref<10000xf32, #tpu.memory_space<vmem_shared>> -> memref<640xf32, #tpu.memory_space<vmem_shared>>
      tpu.enqueue_dma source(%dma_start3A_14 : memref<640xf32, #tpu.memory_space<vmem_shared>>) target(%arg8 : memref<640xf32, #tpu.memory_space<vmem>>) target_semaphore(%run_scoped3A : memref<!tpu.dma_semaphore, #tpu.memory_space<semaphore_mem>>)
      %dma_wait3A = tpu.memref_slice %arg9[%mul3A_2] : memref<10000xf32, #tpu.memory_space<vmem_shared>> -> memref<640xf32, #tpu.memory_space<vmem_shared>>
      %dma_wait3A_15 = tpu.memref_slice %arg9[%mul3A_2] : memref<10000xf32, #tpu.memory_space<vmem_shared>> -> memref<640xf32, #tpu.memory_space<vmem_shared>>
      tpu.wait_dma2 semaphore(%run_scoped3A : memref<!tpu.dma_semaphore, #tpu.memory_space<semaphore_mem>>) src(%dma_wait3A_15 : memref<640xf32, #tpu.memory_space<vmem_shared>>) dst(%arg8 : memref<640xf32, #tpu.memory_space<vmem>>)
      tpu.yield
    }) : () -> ()
    %mul3A_11 = arith.constant 10000 : i32
    %mul3A_12 = arith.muli %arg0, %mul3A_11 : i32
    %add3A_13 = arith.addi %mul3A_12, %mul3A_2 : i32
    "tpu.region"() ({
      %run_scoped3A = tpu.sem_alloc : memref<!tpu.dma_semaphore, #tpu.memory_space<semaphore_mem>>
      %dma_start3A = tpu.memref_slice %arg5[%add3A_13] : memref<20000xf32, #tpu.memory_space<hbm>> -> memref<640xf32, #tpu.memory_space<hbm>>
      %dma_start3A_14 = tpu.memref_slice %arg5[%add3A_13] : memref<20000xf32, #tpu.memory_space<hbm>> -> memref<640xf32, #tpu.memory_space<hbm>>
      tpu.enqueue_dma source(%arg8 : memref<640xf32, #tpu.memory_space<vmem>>) target(%dma_start3A_14 : memref<640xf32, #tpu.memory_space<hbm>>) target_semaphore(%run_scoped3A : memref<!tpu.dma_semaphore, #tpu.memory_space<semaphore_mem>>)
      %dma_wait3A = tpu.memref_slice %arg5[%add3A_13] : memref<20000xf32, #tpu.memory_space<hbm>> -> memref<640xf32, #tpu.memory_space<hbm>>
      %dma_wait3A_15 = tpu.memref_slice %arg5[%add3A_13] : memref<20000xf32, #tpu.memory_space<hbm>> -> memref<640xf32, #tpu.memory_space<hbm>>
      tpu.wait_dma2 semaphore(%run_scoped3A : memref<!tpu.dma_semaphore, #tpu.memory_space<semaphore_mem>>) src(%arg8 : memref<640xf32, #tpu.memory_space<vmem>>) dst(%dma_wait3A_15 : memref<640xf32, #tpu.memory_space<hbm>>)
      tpu.yield
    }) : () -> ()
    return
  }
}

#map = affine_map<(d0, d1) -> (0, 0)>
module attributes {stable_mosaic.version = 14 : i64} {
  func.func @_seg_body(%arg0: i32, %arg1: i32, %arg2: memref<10000x128xf32, #tpu.memory_space<hbm>>, %arg3: memref<32000x80xi32, #tpu.memory_space<hbm>>, %arg4: memref<10000x128xf32, #tpu.memory_space<hbm>>, %arg5: memref<20000x128xf32, #tpu.memory_space<hbm>>, %arg6: memref<8x80xi32, #tpu.memory_space<vmem>>, %arg7: memref<80x128xf32, #tpu.memory_space<vmem>>, %arg8: memref<12048x128xf32, #tpu.memory_space<vmem_shared>>, %arg9: memref<!tpu.dma_semaphore, #tpu.memory_space<semaphore_mem>>) attributes {dimension_semantics = [#tpu.dimension_semantics<core_parallel>, #tpu.dimension_semantics<subcore_parallel>], iteration_bounds = array<i64: 2, 16>, scalar_prefetch = 0 : i64, scratch_operands = 4 : i64, tpu.core_type = #tpu.core_type<sc_vector_subcore>, window_params = [{transform_indices = #map}, {transform_indices = #map}, {transform_indices = #map}, {transform_indices = #map}]} {
    %mul3A = arith.constant 16 : i32
    %mul3A_0 = arith.muli %arg0, %mul3A : i32
    %add3A = arith.addi %mul3A_0, %arg1 : i32
    %mul3A_1 = arith.constant 624 : i32
    %mul3A_2 = arith.muli %arg1, %mul3A_1 : i32
    "tpu.region"() ({
      %run_scoped3A = tpu.sem_alloc : memref<!tpu.dma_semaphore, #tpu.memory_space<semaphore_mem>>
      %dma_start3A = arith.constant 0 : i32
      %dma_start3A_14 = tpu.memref_slice %arg8[%mul3A_2, %dma_start3A] : memref<12048x128xf32, #tpu.memory_space<vmem_shared>> -> memref<640x128xf32, #tpu.memory_space<vmem_shared>>
      %dma_start3A_15 = arith.constant 0 : i32
      %dma_start3A_16 = tpu.memref_slice %arg4[%mul3A_2, %dma_start3A_15] : memref<10000x128xf32, #tpu.memory_space<hbm>> -> memref<640x128xf32, #tpu.memory_space<hbm>>
      tpu.enqueue_dma source(%dma_start3A_16 : memref<640x128xf32, #tpu.memory_space<hbm>>) target(%dma_start3A_14 : memref<640x128xf32, #tpu.memory_space<vmem_shared>>) target_semaphore(%run_scoped3A : memref<!tpu.dma_semaphore, #tpu.memory_space<semaphore_mem>>)
      %dma_wait3A = arith.constant 0 : i32
      %dma_wait3A_17 = tpu.memref_slice %arg8[%mul3A_2, %dma_wait3A] : memref<12048x128xf32, #tpu.memory_space<vmem_shared>> -> memref<640x128xf32, #tpu.memory_space<vmem_shared>>
      %dma_wait3A_18 = arith.constant 0 : i32
      %dma_wait3A_19 = tpu.memref_slice %arg4[%mul3A_2, %dma_wait3A_18] : memref<10000x128xf32, #tpu.memory_space<hbm>> -> memref<640x128xf32, #tpu.memory_space<hbm>>
      tpu.wait_dma2 semaphore(%run_scoped3A : memref<!tpu.dma_semaphore, #tpu.memory_space<semaphore_mem>>) src(%dma_wait3A_19 : memref<640x128xf32, #tpu.memory_space<hbm>>) dst(%dma_wait3A_17 : memref<640x128xf32, #tpu.memory_space<vmem_shared>>)
      tpu.yield
    }) : () -> ()
    %barrier3A = arith.constant 0 : index
    tpu.barrier barrier_id(%barrier3A)
    %mul3A_3 = arith.constant 125 : i32
    %mul3A_4 = arith.muli %add3A, %mul3A_3 : i32
    %scan3A = arith.constant 0 : i32
    %scan3A_5 = arith.constant 0 : i32
    %scan3A_6 = arith.constant 125 : i32
    %scan3A_7 = arith.addi %scan3A_5, %scan3A_6 : i32
    %scan3A_8 = arith.constant 1 : i32
    scf.for %scan3A_14 = %scan3A_5 to %scan3A_7 step %scan3A_8  : i32 {
      %add3A_15 = arith.addi %mul3A_4, %scan3A_14 : i32
      %mul3A_16 = arith.constant 8 : i32
      %mul3A_17 = arith.muli %add3A_15, %mul3A_16 : i32
      "tpu.region"() ({
        %run_scoped3A_30 = tpu.sem_alloc : memref<!tpu.dma_semaphore, #tpu.memory_space<semaphore_mem>>
        %dma_start3A_31 = arith.constant 0 : i32
        %dma_start3A_32 = tpu.memref_slice %arg3[%mul3A_17, %dma_start3A_31] : memref<32000x80xi32, #tpu.memory_space<hbm>> -> memref<8x80xi32, #tpu.memory_space<hbm>>
        %dma_start3A_33 = arith.constant 0 : i32
        %dma_start3A_34 = tpu.memref_slice %arg3[%mul3A_17, %dma_start3A_33] : memref<32000x80xi32, #tpu.memory_space<hbm>> -> memref<8x80xi32, #tpu.memory_space<hbm>>
        tpu.enqueue_dma source(%dma_start3A_34 : memref<8x80xi32, #tpu.memory_space<hbm>>) target(%arg6 : memref<8x80xi32, #tpu.memory_space<vmem>>) target_semaphore(%run_scoped3A_30 : memref<!tpu.dma_semaphore, #tpu.memory_space<semaphore_mem>>)
        %dma_wait3A_35 = arith.constant 0 : i32
        %dma_wait3A_36 = tpu.memref_slice %arg3[%mul3A_17, %dma_wait3A_35] : memref<32000x80xi32, #tpu.memory_space<hbm>> -> memref<8x80xi32, #tpu.memory_space<hbm>>
        %dma_wait3A_37 = arith.constant 0 : i32
        %dma_wait3A_38 = tpu.memref_slice %arg3[%mul3A_17, %dma_wait3A_37] : memref<32000x80xi32, #tpu.memory_space<hbm>> -> memref<8x80xi32, #tpu.memory_space<hbm>>
        tpu.wait_dma2 semaphore(%run_scoped3A_30 : memref<!tpu.dma_semaphore, #tpu.memory_space<semaphore_mem>>) src(%dma_wait3A_38 : memref<8x80xi32, #tpu.memory_space<hbm>>) dst(%arg6 : memref<8x80xi32, #tpu.memory_space<vmem>>)
        tpu.yield
      }) : () -> ()
      %dma_start3A = arith.constant 0 : i32
      %dma_start3A_18 = arith.constant 0 : i32
      %dma_start3A_19 = tpu.memref_slice %arg6[%dma_start3A, %dma_start3A_18] : memref<8x80xi32, #tpu.memory_space<vmem>> -> memref<1x80xi32, #tpu.memory_space<vmem>>
      %dma_start3A_20 = tpu.memref_squeeze %dma_start3A_19 : memref<1x80xi32, #tpu.memory_space<vmem>> -> memref<80xi32, #tpu.memory_space<vmem>>
      %dma_start3A_21 = arith.constant 0 : i32
      %dma_start3A_22 = arith.constant 0 : i32
      %dma_start3A_23 = tpu.memref_slice %arg2[%dma_start3A_21, %dma_start3A_22] : memref<10000x128xf32, #tpu.memory_space<hbm>> -> memref<10000x128xf32, #tpu.memory_space<hbm>>
      tpu.enqueue_indirect_dma source(%dma_start3A_23 : memref<10000x128xf32, #tpu.memory_space<hbm>>) target(%arg7 : memref<80x128xf32, #tpu.memory_space<vmem>>) offsets(%dma_start3A_20 : memref<80xi32, #tpu.memory_space<vmem>>) semaphore(%arg9 : memref<!tpu.dma_semaphore, #tpu.memory_space<semaphore_mem>>)
      %dma_wait3A = arith.constant 0 : i32
      %dma_wait3A_24 = arith.constant 0 : i32
      %dma_wait3A_25 = tpu.memref_slice %arg6[%dma_wait3A, %dma_wait3A_24] : memref<8x80xi32, #tpu.memory_space<vmem>> -> memref<1x80xi32, #tpu.memory_space<vmem>>
      %dma_wait3A_26 = tpu.memref_squeeze %dma_wait3A_25 : memref<1x80xi32, #tpu.memory_space<vmem>> -> memref<80xi32, #tpu.memory_space<vmem>>
      %dma_wait3A_27 = arith.constant 0 : i32
      %dma_wait3A_28 = arith.constant 0 : i32
      %dma_wait3A_29 = tpu.memref_slice %arg2[%dma_wait3A_27, %dma_wait3A_28] : memref<10000x128xf32, #tpu.memory_space<hbm>> -> memref<10000x128xf32, #tpu.memory_space<hbm>>
      tpu.wait_indirect_dma semaphore(%arg9 : memref<!tpu.dma_semaphore, #tpu.memory_space<semaphore_mem>>) src(%dma_wait3A_29 : memref<10000x128xf32, #tpu.memory_space<hbm>>) dst(%arg7 : memref<80x128xf32, #tpu.memory_space<vmem>>)
      %run_scoped3A = arith.constant 1 : i32
      "tpu.region"() ({
        %run_scoped3A_30 = tpu.sem_alloc : memref<!tpu.dma_semaphore, #tpu.memory_space<semaphore_mem>>
        %dma_start3A_31 = arith.constant 0 : i32
        %dma_start3A_32 = tpu.memref_slice %arg6[%run_scoped3A, %dma_start3A_31] : memref<8x80xi32, #tpu.memory_space<vmem>> -> memref<1x80xi32, #tpu.memory_space<vmem>>
        %dma_start3A_33 = tpu.memref_squeeze %dma_start3A_32 : memref<1x80xi32, #tpu.memory_space<vmem>> -> memref<80xi32, #tpu.memory_space<vmem>>
        %dma_start3A_34 = arith.constant 0 : i32
        %dma_start3A_35 = arith.constant 0 : i32
        %dma_start3A_36 = tpu.memref_slice %arg8[%dma_start3A_34, %dma_start3A_35] : memref<12048x128xf32, #tpu.memory_space<vmem_shared>> -> memref<12048x128xf32, #tpu.memory_space<vmem_shared>>
        tpu.enqueue_indirect_dma source(%arg7 : memref<80x128xf32, #tpu.memory_space<vmem>>) target(%dma_start3A_36 : memref<12048x128xf32, #tpu.memory_space<vmem_shared>>) offsets(%dma_start3A_33 : memref<80xi32, #tpu.memory_space<vmem>>) semaphore(%run_scoped3A_30 : memref<!tpu.dma_semaphore, #tpu.memory_space<semaphore_mem>>) {add = true}
        %dma_wait3A_37 = arith.constant 0 : i32
        %dma_wait3A_38 = tpu.memref_slice %arg6[%run_scoped3A, %dma_wait3A_37] : memref<8x80xi32, #tpu.memory_space<vmem>> -> memref<1x80xi32, #tpu.memory_space<vmem>>
        %dma_wait3A_39 = tpu.memref_squeeze %dma_wait3A_38 : memref<1x80xi32, #tpu.memory_space<vmem>> -> memref<80xi32, #tpu.memory_space<vmem>>
        %dma_wait3A_40 = arith.constant 0 : i32
        %dma_wait3A_41 = arith.constant 0 : i32
        %dma_wait3A_42 = tpu.memref_slice %arg8[%dma_wait3A_40, %dma_wait3A_41] : memref<12048x128xf32, #tpu.memory_space<vmem_shared>> -> memref<12048x128xf32, #tpu.memory_space<vmem_shared>>
        tpu.wait_indirect_dma semaphore(%run_scoped3A_30 : memref<!tpu.dma_semaphore, #tpu.memory_space<semaphore_mem>>) src(%arg7 : memref<80x128xf32, #tpu.memory_space<vmem>>) dst(%dma_wait3A_42 : memref<12048x128xf32, #tpu.memory_space<vmem_shared>>)
        tpu.yield
      }) : () -> ()
    }
    %scan3A_9 = arith.constant 125 : i32
    %barrier3A_10 = arith.constant 0 : index
    tpu.barrier barrier_id(%barrier3A_10)
    %mul3A_11 = arith.constant 10000 : i32
    %mul3A_12 = arith.muli %arg0, %mul3A_11 : i32
    %add3A_13 = arith.addi %mul3A_12, %mul3A_2 : i32
    "tpu.region"() ({
      %run_scoped3A = tpu.sem_alloc : memref<!tpu.dma_semaphore, #tpu.memory_space<semaphore_mem>>
      %dma_start3A = arith.constant 0 : i32
      %dma_start3A_14 = tpu.memref_slice %arg5[%add3A_13, %dma_start3A] : memref<20000x128xf32, #tpu.memory_space<hbm>> -> memref<640x128xf32, #tpu.memory_space<hbm>>
      %dma_start3A_15 = arith.constant 0 : i32
      %dma_start3A_16 = tpu.memref_slice %arg8[%mul3A_2, %dma_start3A_15] : memref<12048x128xf32, #tpu.memory_space<vmem_shared>> -> memref<640x128xf32, #tpu.memory_space<vmem_shared>>
      tpu.enqueue_dma source(%dma_start3A_16 : memref<640x128xf32, #tpu.memory_space<vmem_shared>>) target(%dma_start3A_14 : memref<640x128xf32, #tpu.memory_space<hbm>>) target_semaphore(%run_scoped3A : memref<!tpu.dma_semaphore, #tpu.memory_space<semaphore_mem>>)
      %dma_wait3A = arith.constant 0 : i32
      %dma_wait3A_17 = tpu.memref_slice %arg5[%add3A_13, %dma_wait3A] : memref<20000x128xf32, #tpu.memory_space<hbm>> -> memref<640x128xf32, #tpu.memory_space<hbm>>
      %dma_wait3A_18 = arith.constant 0 : i32
      %dma_wait3A_19 = tpu.memref_slice %arg8[%mul3A_2, %dma_wait3A_18] : memref<12048x128xf32, #tpu.memory_space<vmem_shared>> -> memref<640x128xf32, #tpu.memory_space<vmem_shared>>
      tpu.wait_dma2 semaphore(%run_scoped3A : memref<!tpu.dma_semaphore, #tpu.memory_space<semaphore_mem>>) src(%dma_wait3A_19 : memref<640x128xf32, #tpu.memory_space<vmem_shared>>) dst(%dma_wait3A_17 : memref<640x128xf32, #tpu.memory_space<hbm>>)
      tpu.yield
    }) : () -> ()
    return
  }
}

#map = affine_map<(d0, d1) -> (0, 0)>
module attributes {stable_mosaic.version = 14 : i64} {
  func.func @_seg_body(%arg0: i32, %arg1: i32, %arg2: memref<10000x128xf32, #tpu.memory_space<hbm>>, %arg3: memref<32000x80xi32, #tpu.memory_space<hbm>>, %arg4: memref<10000x128xf32, #tpu.memory_space<hbm>>, %arg5: memref<20000x128xf32, #tpu.memory_space<hbm>>, %arg6: memref<8x80xi32, #tpu.memory_space<vmem>>, %arg7: memref<80x128xf32, #tpu.memory_space<vmem>>, %arg8: memref<12048x128xf32, #tpu.memory_space<vmem_shared>>, %arg9: memref<!tpu.dma_semaphore, #tpu.memory_space<semaphore_mem>>) attributes {dimension_semantics = [#tpu.dimension_semantics<core_parallel>, #tpu.dimension_semantics<subcore_parallel>], iteration_bounds = array<i64: 2, 16>, scalar_prefetch = 0 : i64, scratch_operands = 4 : i64, tpu.core_type = #tpu.core_type<sc_vector_subcore>, window_params = [{transform_indices = #map}, {transform_indices = #map}, {transform_indices = #map}, {transform_indices = #map}]} {
    %mul3A = arith.constant 16 : i32
    %mul3A_0 = arith.muli %arg0, %mul3A : i32
    %add3A = arith.addi %mul3A_0, %arg1 : i32
    %mul3A_1 = arith.constant 624 : i32
    %mul3A_2 = arith.muli %arg1, %mul3A_1 : i32
    "tpu.region"() ({
      %run_scoped3A = tpu.sem_alloc : memref<!tpu.dma_semaphore, #tpu.memory_space<semaphore_mem>>
      %dma_start3A = arith.constant 0 : i32
      %dma_start3A_14 = tpu.memref_slice %arg8[%mul3A_2, %dma_start3A] : memref<12048x128xf32, #tpu.memory_space<vmem_shared>> -> memref<640x128xf32, #tpu.memory_space<vmem_shared>>
      %dma_start3A_15 = arith.constant 0 : i32
      %dma_start3A_16 = tpu.memref_slice %arg4[%mul3A_2, %dma_start3A_15] : memref<10000x128xf32, #tpu.memory_space<hbm>> -> memref<640x128xf32, #tpu.memory_space<hbm>>
      tpu.enqueue_dma source(%dma_start3A_16 : memref<640x128xf32, #tpu.memory_space<hbm>>) target(%dma_start3A_14 : memref<640x128xf32, #tpu.memory_space<vmem_shared>>) target_semaphore(%run_scoped3A : memref<!tpu.dma_semaphore, #tpu.memory_space<semaphore_mem>>)
      %dma_wait3A = arith.constant 0 : i32
      %dma_wait3A_17 = tpu.memref_slice %arg8[%mul3A_2, %dma_wait3A] : memref<12048x128xf32, #tpu.memory_space<vmem_shared>> -> memref<640x128xf32, #tpu.memory_space<vmem_shared>>
      %dma_wait3A_18 = arith.constant 0 : i32
      %dma_wait3A_19 = tpu.memref_slice %arg4[%mul3A_2, %dma_wait3A_18] : memref<10000x128xf32, #tpu.memory_space<hbm>> -> memref<640x128xf32, #tpu.memory_space<hbm>>
      tpu.wait_dma2 semaphore(%run_scoped3A : memref<!tpu.dma_semaphore, #tpu.memory_space<semaphore_mem>>) src(%dma_wait3A_19 : memref<640x128xf32, #tpu.memory_space<hbm>>) dst(%dma_wait3A_17 : memref<640x128xf32, #tpu.memory_space<vmem_shared>>)
      tpu.yield
    }) : () -> ()
    %barrier3A = arith.constant 0 : index
    tpu.barrier barrier_id(%barrier3A)
    %mul3A_3 = arith.constant 125 : i32
    %mul3A_4 = arith.muli %add3A, %mul3A_3 : i32
    %scan3A = arith.constant 0 : i32
    %scan3A_5 = arith.constant 0 : i32
    %scan3A_6 = arith.constant 125 : i32
    %scan3A_7 = arith.addi %scan3A_5, %scan3A_6 : i32
    %scan3A_8 = arith.constant 1 : i32
    scf.for %scan3A_14 = %scan3A_5 to %scan3A_7 step %scan3A_8  : i32 {
      %add3A_15 = arith.addi %mul3A_4, %scan3A_14 : i32
      %mul3A_16 = arith.constant 8 : i32
      %mul3A_17 = arith.muli %add3A_15, %mul3A_16 : i32
      "tpu.region"() ({
        %run_scoped3A_30 = tpu.sem_alloc : memref<!tpu.dma_semaphore, #tpu.memory_space<semaphore_mem>>
        %dma_start3A_31 = arith.constant 0 : i32
        %dma_start3A_32 = tpu.memref_slice %arg3[%mul3A_17, %dma_start3A_31] : memref<32000x80xi32, #tpu.memory_space<hbm>> -> memref<8x80xi32, #tpu.memory_space<hbm>>
        %dma_start3A_33 = arith.constant 0 : i32
        %dma_start3A_34 = tpu.memref_slice %arg3[%mul3A_17, %dma_start3A_33] : memref<32000x80xi32, #tpu.memory_space<hbm>> -> memref<8x80xi32, #tpu.memory_space<hbm>>
        tpu.enqueue_dma source(%dma_start3A_34 : memref<8x80xi32, #tpu.memory_space<hbm>>) target(%arg6 : memref<8x80xi32, #tpu.memory_space<vmem>>) target_semaphore(%run_scoped3A_30 : memref<!tpu.dma_semaphore, #tpu.memory_space<semaphore_mem>>)
        %dma_wait3A_35 = arith.constant 0 : i32
        %dma_wait3A_36 = tpu.memref_slice %arg3[%mul3A_17, %dma_wait3A_35] : memref<32000x80xi32, #tpu.memory_space<hbm>> -> memref<8x80xi32, #tpu.memory_space<hbm>>
        %dma_wait3A_37 = arith.constant 0 : i32
        %dma_wait3A_38 = tpu.memref_slice %arg3[%mul3A_17, %dma_wait3A_37] : memref<32000x80xi32, #tpu.memory_space<hbm>> -> memref<8x80xi32, #tpu.memory_space<hbm>>
        tpu.wait_dma2 semaphore(%run_scoped3A_30 : memref<!tpu.dma_semaphore, #tpu.memory_space<semaphore_mem>>) src(%dma_wait3A_38 : memref<8x80xi32, #tpu.memory_space<hbm>>) dst(%arg6 : memref<8x80xi32, #tpu.memory_space<vmem>>)
        tpu.yield
      }) : () -> ()
      %dma_start3A = arith.constant 0 : i32
      %dma_start3A_18 = arith.constant 0 : i32
      %dma_start3A_19 = tpu.memref_slice %arg6[%dma_start3A, %dma_start3A_18] : memref<8x80xi32, #tpu.memory_space<vmem>> -> memref<1x80xi32, #tpu.memory_space<vmem>>
      %dma_start3A_20 = tpu.memref_squeeze %dma_start3A_19 : memref<1x80xi32, #tpu.memory_space<vmem>> -> memref<80xi32, #tpu.memory_space<vmem>>
      %dma_start3A_21 = arith.constant 0 : i32
      %dma_start3A_22 = arith.constant 0 : i32
      %dma_start3A_23 = tpu.memref_slice %arg2[%dma_start3A_21, %dma_start3A_22] : memref<10000x128xf32, #tpu.memory_space<hbm>> -> memref<10000x128xf32, #tpu.memory_space<hbm>>
      tpu.enqueue_indirect_dma source(%dma_start3A_23 : memref<10000x128xf32, #tpu.memory_space<hbm>>) target(%arg7 : memref<80x128xf32, #tpu.memory_space<vmem>>) offsets(%dma_start3A_20 : memref<80xi32, #tpu.memory_space<vmem>>) semaphore(%arg9 : memref<!tpu.dma_semaphore, #tpu.memory_space<semaphore_mem>>)
      %dma_wait3A = arith.constant 0 : i32
      %dma_wait3A_24 = arith.constant 0 : i32
      %dma_wait3A_25 = tpu.memref_slice %arg6[%dma_wait3A, %dma_wait3A_24] : memref<8x80xi32, #tpu.memory_space<vmem>> -> memref<1x80xi32, #tpu.memory_space<vmem>>
      %dma_wait3A_26 = tpu.memref_squeeze %dma_wait3A_25 : memref<1x80xi32, #tpu.memory_space<vmem>> -> memref<80xi32, #tpu.memory_space<vmem>>
      %dma_wait3A_27 = arith.constant 0 : i32
      %dma_wait3A_28 = arith.constant 0 : i32
      %dma_wait3A_29 = tpu.memref_slice %arg2[%dma_wait3A_27, %dma_wait3A_28] : memref<10000x128xf32, #tpu.memory_space<hbm>> -> memref<10000x128xf32, #tpu.memory_space<hbm>>
      tpu.wait_indirect_dma semaphore(%arg9 : memref<!tpu.dma_semaphore, #tpu.memory_space<semaphore_mem>>) src(%dma_wait3A_29 : memref<10000x128xf32, #tpu.memory_space<hbm>>) dst(%arg7 : memref<80x128xf32, #tpu.memory_space<vmem>>)
      %run_scoped3A = arith.constant 1 : i32
      "tpu.region"() ({
        %run_scoped3A_30 = tpu.sem_alloc : memref<!tpu.dma_semaphore, #tpu.memory_space<semaphore_mem>>
        %dma_start3A_31 = arith.constant 0 : i32
        %dma_start3A_32 = tpu.memref_slice %arg6[%run_scoped3A, %dma_start3A_31] : memref<8x80xi32, #tpu.memory_space<vmem>> -> memref<1x80xi32, #tpu.memory_space<vmem>>
        %dma_start3A_33 = tpu.memref_squeeze %dma_start3A_32 : memref<1x80xi32, #tpu.memory_space<vmem>> -> memref<80xi32, #tpu.memory_space<vmem>>
        %dma_start3A_34 = arith.constant 0 : i32
        %dma_start3A_35 = arith.constant 0 : i32
        %dma_start3A_36 = tpu.memref_slice %arg8[%dma_start3A_34, %dma_start3A_35] : memref<12048x128xf32, #tpu.memory_space<vmem_shared>> -> memref<12048x128xf32, #tpu.memory_space<vmem_shared>>
        tpu.enqueue_indirect_dma source(%arg7 : memref<80x128xf32, #tpu.memory_space<vmem>>) target(%dma_start3A_36 : memref<12048x128xf32, #tpu.memory_space<vmem_shared>>) offsets(%dma_start3A_33 : memref<80xi32, #tpu.memory_space<vmem>>) semaphore(%run_scoped3A_30 : memref<!tpu.dma_semaphore, #tpu.memory_space<semaphore_mem>>) {add = true}
        %dma_wait3A_37 = arith.constant 0 : i32
        %dma_wait3A_38 = tpu.memref_slice %arg6[%run_scoped3A, %dma_wait3A_37] : memref<8x80xi32, #tpu.memory_space<vmem>> -> memref<1x80xi32, #tpu.memory_space<vmem>>
        %dma_wait3A_39 = tpu.memref_squeeze %dma_wait3A_38 : memref<1x80xi32, #tpu.memory_space<vmem>> -> memref<80xi32, #tpu.memory_space<vmem>>
        %dma_wait3A_40 = arith.constant 0 : i32
        %dma_wait3A_41 = arith.constant 0 : i32
        %dma_wait3A_42 = tpu.memref_slice %arg8[%dma_wait3A_40, %dma_wait3A_41] : memref<12048x128xf32, #tpu.memory_space<vmem_shared>> -> memref<12048x128xf32, #tpu.memory_space<vmem_shared>>
        tpu.wait_indirect_dma semaphore(%run_scoped3A_30 : memref<!tpu.dma_semaphore, #tpu.memory_space<semaphore_mem>>) src(%arg7 : memref<80x128xf32, #tpu.memory_space<vmem>>) dst(%dma_wait3A_42 : memref<12048x128xf32, #tpu.memory_space<vmem_shared>>)
        tpu.yield
      }) : () -> ()
    }
    %scan3A_9 = arith.constant 125 : i32
    %barrier3A_10 = arith.constant 0 : index
    tpu.barrier barrier_id(%barrier3A_10)
    %mul3A_11 = arith.constant 10000 : i32
    %mul3A_12 = arith.muli %arg0, %mul3A_11 : i32
    %add3A_13 = arith.addi %mul3A_12, %mul3A_2 : i32
    "tpu.region"() ({
      %run_scoped3A = tpu.sem_alloc : memref<!tpu.dma_semaphore, #tpu.memory_space<semaphore_mem>>
      %dma_start3A = arith.constant 0 : i32
      %dma_start3A_14 = tpu.memref_slice %arg5[%add3A_13, %dma_start3A] : memref<20000x128xf32, #tpu.memory_space<hbm>> -> memref<640x128xf32, #tpu.memory_space<hbm>>
      %dma_start3A_15 = arith.constant 0 : i32
      %dma_start3A_16 = tpu.memref_slice %arg8[%mul3A_2, %dma_start3A_15] : memref<12048x128xf32, #tpu.memory_space<vmem_shared>> -> memref<640x128xf32, #tpu.memory_space<vmem_shared>>
      tpu.enqueue_dma source(%dma_start3A_16 : memref<640x128xf32, #tpu.memory_space<vmem_shared>>) target(%dma_start3A_14 : memref<640x128xf32, #tpu.memory_space<hbm>>) target_semaphore(%run_scoped3A : memref<!tpu.dma_semaphore, #tpu.memory_space<semaphore_mem>>)
      %dma_wait3A = arith.constant 0 : i32
      %dma_wait3A_17 = tpu.memref_slice %arg5[%add3A_13, %dma_wait3A] : memref<20000x128xf32, #tpu.memory_space<hbm>> -> memref<640x128xf32, #tpu.memory_space<hbm>>
      %dma_wait3A_18 = arith.constant 0 : i32
      %dma_wait3A_19 = tpu.memref_slice %arg8[%mul3A_2, %dma_wait3A_18] : memref<12048x128xf32, #tpu.memory_space<vmem_shared>> -> memref<640x128xf32, #tpu.memory_space<vmem_shared>>
      tpu.wait_dma2 semaphore(%run_scoped3A : memref<!tpu.dma_semaphore, #tpu.memory_space<semaphore_mem>>) src(%dma_wait3A_19 : memref<640x128xf32, #tpu.memory_space<vmem_shared>>) dst(%dma_wait3A_17 : memref<640x128xf32, #tpu.memory_space<hbm>>)
      tpu.yield
    }) : () -> ()
    return
  }
}

#map = affine_map<(d0, d1) -> (0, 0)>
module attributes {stable_mosaic.version = 14 : i64} {
  func.func @_seg_body(%arg0: i32, %arg1: i32, %arg2: memref<10000x128xf32, #tpu.memory_space<hbm>>, %arg3: memref<32000x80xi32, #tpu.memory_space<hbm>>, %arg4: memref<10000x128xf32, #tpu.memory_space<hbm>>, %arg5: memref<20000x128xf32, #tpu.memory_space<hbm>>, %arg6: memref<8x80xi32, #tpu.memory_space<vmem>>, %arg7: memref<80x128xf32, #tpu.memory_space<vmem>>, %arg8: memref<12048x128xf32, #tpu.memory_space<vmem_shared>>, %arg9: memref<!tpu.dma_semaphore, #tpu.memory_space<semaphore_mem>>) attributes {dimension_semantics = [#tpu.dimension_semantics<core_parallel>, #tpu.dimension_semantics<subcore_parallel>], iteration_bounds = array<i64: 2, 16>, scalar_prefetch = 0 : i64, scratch_operands = 4 : i64, tpu.core_type = #tpu.core_type<sc_vector_subcore>, window_params = [{transform_indices = #map}, {transform_indices = #map}, {transform_indices = #map}, {transform_indices = #map}]} {
    %mul3A = arith.constant 16 : i32
    %mul3A_0 = arith.muli %arg0, %mul3A : i32
    %add3A = arith.addi %mul3A_0, %arg1 : i32
    %mul3A_1 = arith.constant 624 : i32
    %mul3A_2 = arith.muli %arg1, %mul3A_1 : i32
    "tpu.region"() ({
      %run_scoped3A = tpu.sem_alloc : memref<!tpu.dma_semaphore, #tpu.memory_space<semaphore_mem>>
      %dma_start3A = arith.constant 0 : i32
      %dma_start3A_14 = tpu.memref_slice %arg8[%mul3A_2, %dma_start3A] : memref<12048x128xf32, #tpu.memory_space<vmem_shared>> -> memref<640x128xf32, #tpu.memory_space<vmem_shared>>
      %dma_start3A_15 = arith.constant 0 : i32
      %dma_start3A_16 = tpu.memref_slice %arg4[%mul3A_2, %dma_start3A_15] : memref<10000x128xf32, #tpu.memory_space<hbm>> -> memref<640x128xf32, #tpu.memory_space<hbm>>
      tpu.enqueue_dma source(%dma_start3A_16 : memref<640x128xf32, #tpu.memory_space<hbm>>) target(%dma_start3A_14 : memref<640x128xf32, #tpu.memory_space<vmem_shared>>) target_semaphore(%run_scoped3A : memref<!tpu.dma_semaphore, #tpu.memory_space<semaphore_mem>>)
      %dma_wait3A = arith.constant 0 : i32
      %dma_wait3A_17 = tpu.memref_slice %arg8[%mul3A_2, %dma_wait3A] : memref<12048x128xf32, #tpu.memory_space<vmem_shared>> -> memref<640x128xf32, #tpu.memory_space<vmem_shared>>
      %dma_wait3A_18 = arith.constant 0 : i32
      %dma_wait3A_19 = tpu.memref_slice %arg4[%mul3A_2, %dma_wait3A_18] : memref<10000x128xf32, #tpu.memory_space<hbm>> -> memref<640x128xf32, #tpu.memory_space<hbm>>
      tpu.wait_dma2 semaphore(%run_scoped3A : memref<!tpu.dma_semaphore, #tpu.memory_space<semaphore_mem>>) src(%dma_wait3A_19 : memref<640x128xf32, #tpu.memory_space<hbm>>) dst(%dma_wait3A_17 : memref<640x128xf32, #tpu.memory_space<vmem_shared>>)
      tpu.yield
    }) : () -> ()
    %barrier3A = arith.constant 0 : index
    tpu.barrier barrier_id(%barrier3A)
    %mul3A_3 = arith.constant 125 : i32
    %mul3A_4 = arith.muli %add3A, %mul3A_3 : i32
    %scan3A = arith.constant 0 : i32
    %scan3A_5 = arith.constant 0 : i32
    %scan3A_6 = arith.constant 125 : i32
    %scan3A_7 = arith.addi %scan3A_5, %scan3A_6 : i32
    %scan3A_8 = arith.constant 1 : i32
    scf.for %scan3A_14 = %scan3A_5 to %scan3A_7 step %scan3A_8  : i32 {
      %add3A_15 = arith.addi %mul3A_4, %scan3A_14 : i32
      %mul3A_16 = arith.constant 8 : i32
      %mul3A_17 = arith.muli %add3A_15, %mul3A_16 : i32
      "tpu.region"() ({
        %run_scoped3A_30 = tpu.sem_alloc : memref<!tpu.dma_semaphore, #tpu.memory_space<semaphore_mem>>
        %dma_start3A_31 = arith.constant 0 : i32
        %dma_start3A_32 = tpu.memref_slice %arg3[%mul3A_17, %dma_start3A_31] : memref<32000x80xi32, #tpu.memory_space<hbm>> -> memref<8x80xi32, #tpu.memory_space<hbm>>
        %dma_start3A_33 = arith.constant 0 : i32
        %dma_start3A_34 = tpu.memref_slice %arg3[%mul3A_17, %dma_start3A_33] : memref<32000x80xi32, #tpu.memory_space<hbm>> -> memref<8x80xi32, #tpu.memory_space<hbm>>
        tpu.enqueue_dma source(%dma_start3A_34 : memref<8x80xi32, #tpu.memory_space<hbm>>) target(%arg6 : memref<8x80xi32, #tpu.memory_space<vmem>>) target_semaphore(%run_scoped3A_30 : memref<!tpu.dma_semaphore, #tpu.memory_space<semaphore_mem>>)
        %dma_wait3A_35 = arith.constant 0 : i32
        %dma_wait3A_36 = tpu.memref_slice %arg3[%mul3A_17, %dma_wait3A_35] : memref<32000x80xi32, #tpu.memory_space<hbm>> -> memref<8x80xi32, #tpu.memory_space<hbm>>
        %dma_wait3A_37 = arith.constant 0 : i32
        %dma_wait3A_38 = tpu.memref_slice %arg3[%mul3A_17, %dma_wait3A_37] : memref<32000x80xi32, #tpu.memory_space<hbm>> -> memref<8x80xi32, #tpu.memory_space<hbm>>
        tpu.wait_dma2 semaphore(%run_scoped3A_30 : memref<!tpu.dma_semaphore, #tpu.memory_space<semaphore_mem>>) src(%dma_wait3A_38 : memref<8x80xi32, #tpu.memory_space<hbm>>) dst(%arg6 : memref<8x80xi32, #tpu.memory_space<vmem>>)
        tpu.yield
      }) : () -> ()
      %dma_start3A = arith.constant 0 : i32
      %dma_start3A_18 = arith.constant 0 : i32
      %dma_start3A_19 = tpu.memref_slice %arg6[%dma_start3A, %dma_start3A_18] : memref<8x80xi32, #tpu.memory_space<vmem>> -> memref<1x80xi32, #tpu.memory_space<vmem>>
      %dma_start3A_20 = tpu.memref_squeeze %dma_start3A_19 : memref<1x80xi32, #tpu.memory_space<vmem>> -> memref<80xi32, #tpu.memory_space<vmem>>
      %dma_start3A_21 = arith.constant 0 : i32
      %dma_start3A_22 = arith.constant 0 : i32
      %dma_start3A_23 = tpu.memref_slice %arg2[%dma_start3A_21, %dma_start3A_22] : memref<10000x128xf32, #tpu.memory_space<hbm>> -> memref<10000x128xf32, #tpu.memory_space<hbm>>
      tpu.enqueue_indirect_dma source(%dma_start3A_23 : memref<10000x128xf32, #tpu.memory_space<hbm>>) target(%arg7 : memref<80x128xf32, #tpu.memory_space<vmem>>) offsets(%dma_start3A_20 : memref<80xi32, #tpu.memory_space<vmem>>) semaphore(%arg9 : memref<!tpu.dma_semaphore, #tpu.memory_space<semaphore_mem>>)
      %dma_wait3A = arith.constant 0 : i32
      %dma_wait3A_24 = arith.constant 0 : i32
      %dma_wait3A_25 = tpu.memref_slice %arg6[%dma_wait3A, %dma_wait3A_24] : memref<8x80xi32, #tpu.memory_space<vmem>> -> memref<1x80xi32, #tpu.memory_space<vmem>>
      %dma_wait3A_26 = tpu.memref_squeeze %dma_wait3A_25 : memref<1x80xi32, #tpu.memory_space<vmem>> -> memref<80xi32, #tpu.memory_space<vmem>>
      %dma_wait3A_27 = arith.constant 0 : i32
      %dma_wait3A_28 = arith.constant 0 : i32
      %dma_wait3A_29 = tpu.memref_slice %arg2[%dma_wait3A_27, %dma_wait3A_28] : memref<10000x128xf32, #tpu.memory_space<hbm>> -> memref<10000x128xf32, #tpu.memory_space<hbm>>
      tpu.wait_indirect_dma semaphore(%arg9 : memref<!tpu.dma_semaphore, #tpu.memory_space<semaphore_mem>>) src(%dma_wait3A_29 : memref<10000x128xf32, #tpu.memory_space<hbm>>) dst(%arg7 : memref<80x128xf32, #tpu.memory_space<vmem>>)
      %run_scoped3A = arith.constant 1 : i32
      "tpu.region"() ({
        %run_scoped3A_30 = tpu.sem_alloc : memref<!tpu.dma_semaphore, #tpu.memory_space<semaphore_mem>>
        %dma_start3A_31 = arith.constant 0 : i32
        %dma_start3A_32 = tpu.memref_slice %arg6[%run_scoped3A, %dma_start3A_31] : memref<8x80xi32, #tpu.memory_space<vmem>> -> memref<1x80xi32, #tpu.memory_space<vmem>>
        %dma_start3A_33 = tpu.memref_squeeze %dma_start3A_32 : memref<1x80xi32, #tpu.memory_space<vmem>> -> memref<80xi32, #tpu.memory_space<vmem>>
        %dma_start3A_34 = arith.constant 0 : i32
        %dma_start3A_35 = arith.constant 0 : i32
        %dma_start3A_36 = tpu.memref_slice %arg8[%dma_start3A_34, %dma_start3A_35] : memref<12048x128xf32, #tpu.memory_space<vmem_shared>> -> memref<12048x128xf32, #tpu.memory_space<vmem_shared>>
        tpu.enqueue_indirect_dma source(%arg7 : memref<80x128xf32, #tpu.memory_space<vmem>>) target(%dma_start3A_36 : memref<12048x128xf32, #tpu.memory_space<vmem_shared>>) offsets(%dma_start3A_33 : memref<80xi32, #tpu.memory_space<vmem>>) semaphore(%run_scoped3A_30 : memref<!tpu.dma_semaphore, #tpu.memory_space<semaphore_mem>>) {add = true}
        %dma_wait3A_37 = arith.constant 0 : i32
        %dma_wait3A_38 = tpu.memref_slice %arg6[%run_scoped3A, %dma_wait3A_37] : memref<8x80xi32, #tpu.memory_space<vmem>> -> memref<1x80xi32, #tpu.memory_space<vmem>>
        %dma_wait3A_39 = tpu.memref_squeeze %dma_wait3A_38 : memref<1x80xi32, #tpu.memory_space<vmem>> -> memref<80xi32, #tpu.memory_space<vmem>>
        %dma_wait3A_40 = arith.constant 0 : i32
        %dma_wait3A_41 = arith.constant 0 : i32
        %dma_wait3A_42 = tpu.memref_slice %arg8[%dma_wait3A_40, %dma_wait3A_41] : memref<12048x128xf32, #tpu.memory_space<vmem_shared>> -> memref<12048x128xf32, #tpu.memory_space<vmem_shared>>
        tpu.wait_indirect_dma semaphore(%run_scoped3A_30 : memref<!tpu.dma_semaphore, #tpu.memory_space<semaphore_mem>>) src(%arg7 : memref<80x128xf32, #tpu.memory_space<vmem>>) dst(%dma_wait3A_42 : memref<12048x128xf32, #tpu.memory_space<vmem_shared>>)
        tpu.yield
      }) : () -> ()
    }
    %scan3A_9 = arith.constant 125 : i32
    %barrier3A_10 = arith.constant 0 : index
    tpu.barrier barrier_id(%barrier3A_10)
    %mul3A_11 = arith.constant 10000 : i32
    %mul3A_12 = arith.muli %arg0, %mul3A_11 : i32
    %add3A_13 = arith.addi %mul3A_12, %mul3A_2 : i32
    "tpu.region"() ({
      %run_scoped3A = tpu.sem_alloc : memref<!tpu.dma_semaphore, #tpu.memory_space<semaphore_mem>>
      %dma_start3A = arith.constant 0 : i32
      %dma_start3A_14 = tpu.memref_slice %arg5[%add3A_13, %dma_start3A] : memref<20000x128xf32, #tpu.memory_space<hbm>> -> memref<640x128xf32, #tpu.memory_space<hbm>>
      %dma_start3A_15 = arith.constant 0 : i32
      %dma_start3A_16 = tpu.memref_slice %arg8[%mul3A_2, %dma_start3A_15] : memref<12048x128xf32, #tpu.memory_space<vmem_shared>> -> memref<640x128xf32, #tpu.memory_space<vmem_shared>>
      tpu.enqueue_dma source(%dma_start3A_16 : memref<640x128xf32, #tpu.memory_space<vmem_shared>>) target(%dma_start3A_14 : memref<640x128xf32, #tpu.memory_space<hbm>>) target_semaphore(%run_scoped3A : memref<!tpu.dma_semaphore, #tpu.memory_space<semaphore_mem>>)
      %dma_wait3A = arith.constant 0 : i32
      %dma_wait3A_17 = tpu.memref_slice %arg5[%add3A_13, %dma_wait3A] : memref<20000x128xf32, #tpu.memory_space<hbm>> -> memref<640x128xf32, #tpu.memory_space<hbm>>
      %dma_wait3A_18 = arith.constant 0 : i32
      %dma_wait3A_19 = tpu.memref_slice %arg8[%mul3A_2, %dma_wait3A_18] : memref<12048x128xf32, #tpu.memory_space<vmem_shared>> -> memref<640x128xf32, #tpu.memory_space<vmem_shared>>
      tpu.wait_dma2 semaphore(%run_scoped3A : memref<!tpu.dma_semaphore, #tpu.memory_space<semaphore_mem>>) src(%dma_wait3A_19 : memref<640x128xf32, #tpu.memory_space<vmem_shared>>) dst(%dma_wait3A_17 : memref<640x128xf32, #tpu.memory_space<hbm>>)
      tpu.yield
    }) : () -> ()
    return
  }
}

module attributes {stable_mosaic.version = 14 : i64} {
  func.func @_mm_body(%arg0: i32, %arg1: memref<1000x128xf32, #tpu.memory_space<vmem>>, %arg2: memref<128x128xf32, #tpu.memory_space<vmem>>, %arg3: memref<1000x128xf32, #tpu.memory_space<vmem>>) attributes {dimension_semantics = [#tpu.dimension_semantics<arbitrary>], iteration_bounds = array<i64: 10>, scalar_prefetch = 0 : i64, scratch_operands = 0 : i64, tpu.core_type = #tpu.core_type<tc>, window_params = [{transform_indices = @transform_0, window_bounds = array<i64: 1000, 128>}, {pipeline_mode = #tpu.pipeline_mode<synchronous>, transform_indices = @transform_1, window_bounds = array<i64: 128, 128>}, {transform_indices = @transform_2, window_bounds = array<i64: 1000, 128>}]} {
    %get3A = arith.constant 0 : index
    %get3A_0 = arith.constant 0 : index
    %get3A_1 = vector.load %arg1[%get3A, %get3A_0] : memref<1000x128xf32, #tpu.memory_space<vmem>>, vector<1000x128xf32>
    %get3A_2 = arith.constant 0 : index
    %get3A_3 = arith.constant 0 : index
    %get3A_4 = vector.load %arg2[%get3A_2, %get3A_3] : memref<128x128xf32, #tpu.memory_space<vmem>>, vector<128x128xf32>
    %dot_general3A = arith.constant dense<0.000000e+00> : vector<1000x128xf32>
    %dot_general3A_5 = tpu.matmul %get3A_1, %get3A_4, %dot_general3A {dimension_numbers = #tpu.dot_dimension_numbers<[1], [0], [0], [1], [0, 0, 1, 1], [], []>, transpose_lhs_hint = false} : vector<1000x128xf32>, vector<128x128xf32>, vector<1000x128xf32> -> vector<1000x128xf32>
    %swap3A = arith.constant 0 : index
    %swap3A_6 = arith.constant 0 : index
    %swap3A_7 = vector.load %arg3[%swap3A, %swap3A_6] : memref<1000x128xf32, #tpu.memory_space<vmem>>, vector<1000x128xf32>
    tpu.vector_store %arg3[%swap3A, %swap3A_6], %dot_general3A_5 {strides = array<i32>} : memref<1000x128xf32, #tpu.memory_space<vmem>>, vector<1000x128xf32>,
    return
  }
  func.func @transform_0(%arg0: i32) -> (i32, i32) {
    %c0_i32 = arith.constant 0 : i32
    %c0_i32_0 = arith.constant 0 : i32
    return %arg0, %c0_i32 : i32, i32
  }
  func.func @transform_1(%arg0: i32) -> (i32, i32) {
    %c0_i32 = arith.constant 0 : i32
    %c0_i32_0 = arith.constant 0 : i32
    %c0_i32_1 = arith.constant 0 : i32
    return %c0_i32, %c0_i32_0 : i32, i32
  }
  func.func @transform_2(%arg0: i32) -> (i32, i32) {
    %c0_i32 = arith.constant 0 : i32
    %c0_i32_0 = arith.constant 0 : i32
    return %arg0, %c0_i32 : i32, i32
  }
}

module attributes {stable_mosaic.version = 14 : i64} {
  func.func @_scale_body(%arg0: i32, %arg1: memref<1000x1xf32, #tpu.memory_space<vmem>>, %arg2: memref<1000x1xf32, #tpu.memory_space<vmem>>, %arg3: memref<1000x128xf32, #tpu.memory_space<vmem>>, %arg4: memref<1000x128xf32, #tpu.memory_space<vmem>>, %arg5: memref<1000x1xf32, #tpu.memory_space<vmem>>, %arg6: memref<1000x1xf32, #tpu.memory_space<vmem>>) attributes {dimension_semantics = [#tpu.dimension_semantics<arbitrary>], iteration_bounds = array<i64: 10>, scalar_prefetch = 0 : i64, scratch_operands = 0 : i64, tpu.core_type = #tpu.core_type<tc>, window_params = [{transform_indices = @transform_0, window_bounds = array<i64: 1000, 1>}, {transform_indices = @transform_1, window_bounds = array<i64: 1000, 1>}, {transform_indices = @transform_2, window_bounds = array<i64: 1000, 128>}, {transform_indices = @transform_3, window_bounds = array<i64: 1000, 128>}, {transform_indices = @transform_4, window_bounds = array<i64: 1000, 1>}, {transform_indices = @transform_5, window_bounds = array<i64: 1000, 1>}]} {
    %get3A = arith.constant 0 : index
    %get3A_0 = arith.constant 0 : index
    %get3A_1 = vector.load %arg1[%get3A, %get3A_0] : memref<1000x1xf32, #tpu.memory_space<vmem>>, vector<1000x1xf32>
    %get3A_2 = arith.constant 0 : index
    %get3A_3 = arith.constant 0 : index
    %get3A_4 = vector.load %arg2[%get3A_2, %get3A_3] : memref<1000x1xf32, #tpu.memory_space<vmem>>, vector<1000x1xf32>
    %add3A = arith.addf %get3A_1, %get3A_4 : vector<1000x1xf32>
    %add3A_5 = arith.constant 1.000000e+00 : f32
    %add3A_6 = vector.broadcast %add3A_5 : f32 to vector<1000x1xf32>
    %add3A_7 = arith.addf %add3A, %add3A_6 : vector<1000x1xf32>
    %rsqrt3A = math.rsqrt %add3A_7 : vector<1000x1xf32>
    %div3A = arith.constant 1.000000e+00 : f32
    %div3A_8 = vector.broadcast %div3A : f32 to vector<1000x1xf32>
    %div3A_9 = arith.divf %div3A_8, %add3A_7 : vector<1000x1xf32>
    %get3A_10 = arith.constant 0 : index
    %get3A_11 = arith.constant 0 : index
    %get3A_12 = vector.load %arg3[%get3A_10, %get3A_11] : memref<1000x128xf32, #tpu.memory_space<vmem>>, vector<1000x128xf32>
    %mul3A = vector.broadcast %rsqrt3A : vector<1000x1xf32> to vector<1000x128xf32>
    %mul3A_13 = arith.mulf %mul3A, %get3A_12 : vector<1000x128xf32>
    %swap3A = arith.constant 0 : index
    %swap3A_14 = arith.constant 0 : index
    %swap3A_15 = vector.load %arg4[%swap3A, %swap3A_14] : memref<1000x128xf32, #tpu.memory_space<vmem>>, vector<1000x128xf32>
    tpu.vector_store %arg4[%swap3A, %swap3A_14], %mul3A_13 {strides = array<i32>} : memref<1000x128xf32, #tpu.memory_space<vmem>>, vector<1000x128xf32>,
    %swap3A_16 = arith.constant 0 : index
    %swap3A_17 = arith.constant 0 : index
    %swap3A_18 = vector.load %arg5[%swap3A_16, %swap3A_17] : memref<1000x1xf32, #tpu.memory_space<vmem>>, vector<1000x1xf32>
    tpu.vector_store %arg5[%swap3A_16, %swap3A_17], %rsqrt3A {strides = array<i32>} : memref<1000x1xf32, #tpu.memory_space<vmem>>, vector<1000x1xf32>,
    %swap3A_19 = arith.constant 0 : index
    %swap3A_20 = arith.constant 0 : index
    %swap3A_21 = vector.load %arg6[%swap3A_19, %swap3A_20] : memref<1000x1xf32, #tpu.memory_space<vmem>>, vector<1000x1xf32>
    tpu.vector_store %arg6[%swap3A_19, %swap3A_20], %div3A_9 {strides = array<i32>} : memref<1000x1xf32, #tpu.memory_space<vmem>>, vector<1000x1xf32>,
    return
  }
  func.func @transform_0(%arg0: i32) -> (i32, i32) {
    %c0_i32 = arith.constant 0 : i32
    %c0_i32_0 = arith.constant 0 : i32
    return %arg0, %c0_i32 : i32, i32
  }
  func.func @transform_1(%arg0: i32) -> (i32, i32) {
    %add3A = arith.constant 10 : i32
    %add3A_0 = arith.addi %arg0, %add3A : i32
    %c0_i32 = arith.constant 0 : i32
    %c0_i32_1 = arith.constant 0 : i32
    return %add3A_0, %c0_i32 : i32, i32
  }
  func.func @transform_2(%arg0: i32) -> (i32, i32) {
    %c0_i32 = arith.constant 0 : i32
    %c0_i32_0 = arith.constant 0 : i32
    return %arg0, %c0_i32 : i32, i32
  }
  func.func @transform_3(%arg0: i32) -> (i32, i32) {
    %c0_i32 = arith.constant 0 : i32
    %c0_i32_0 = arith.constant 0 : i32
    return %arg0, %c0_i32 : i32, i32
  }
  func.func @transform_4(%arg0: i32) -> (i32, i32) {
    %c0_i32 = arith.constant 0 : i32
    %c0_i32_0 = arith.constant 0 : i32
    return %arg0, %c0_i32 : i32, i32
  }
  func.func @transform_5(%arg0: i32) -> (i32, i32) {
    %c0_i32 = arith.constant 0 : i32
    %c0_i32_0 = arith.constant 0 : i32
    return %arg0, %c0_i32 : i32, i32
  }
}

module attributes {stable_mosaic.version = 14 : i64} {
  func.func @_cmb_mm_body(%arg0: i32, %arg1: memref<1000x128xf32, #tpu.memory_space<vmem>>, %arg2: memref<1000x128xf32, #tpu.memory_space<vmem>>, %arg3: memref<1000x128xf32, #tpu.memory_space<vmem>>, %arg4: memref<1000x1xf32, #tpu.memory_space<vmem>>, %arg5: memref<1000x1xf32, #tpu.memory_space<vmem>>, %arg6: memref<1x128xf32, #tpu.memory_space<vmem>>, %arg7: memref<128x128xf32, #tpu.memory_space<vmem>>, %arg8: memref<1000x128xf32, #tpu.memory_space<vmem>>, %arg9: memref<1000x128xf32, #tpu.memory_space<vmem>>) attributes {dimension_semantics = [#tpu.dimension_semantics<arbitrary>], iteration_bounds = array<i64: 10>, scalar_prefetch = 0 : i64, scratch_operands = 0 : i64, tpu.core_type = #tpu.core_type<tc>, window_params = [{transform_indices = @transform_0, window_bounds = array<i64: 1000, 128>}, {transform_indices = @transform_1, window_bounds = array<i64: 1000, 128>}, {transform_indices = @transform_2, window_bounds = array<i64: 1000, 128>}, {transform_indices = @transform_3, window_bounds = array<i64: 1000, 1>}, {transform_indices = @transform_4, window_bounds = array<i64: 1000, 1>}, {pipeline_mode = #tpu.pipeline_mode<synchronous>, transform_indices = @transform_5, window_bounds = array<i64: 1, 128>}, {pipeline_mode = #tpu.pipeline_mode<synchronous>, transform_indices = @transform_6, window_bounds = array<i64: 128, 128>}, {transform_indices = @transform_7, window_bounds = array<i64: 1000, 128>}, {transform_indices = @transform_8, window_bounds = array<i64: 1000, 128>}]} {
    %get3A = arith.constant 0 : index
    %get3A_0 = arith.constant 0 : index
    %get3A_1 = vector.load %arg4[%get3A, %get3A_0] : memref<1000x1xf32, #tpu.memory_space<vmem>>, vector<1000x1xf32>
    %get3A_2 = arith.constant 0 : index
    %get3A_3 = arith.constant 0 : index
    %get3A_4 = vector.load %arg1[%get3A_2, %get3A_3] : memref<1000x128xf32, #tpu.memory_space<vmem>>, vector<1000x128xf32>
    %get3A_5 = arith.constant 0 : index
    %get3A_6 = arith.constant 0 : index
    %get3A_7 = vector.load %arg2[%get3A_5, %get3A_6] : memref<1000x128xf32, #tpu.memory_space<vmem>>, vector<1000x128xf32>
    %add3A = arith.addf %get3A_4, %get3A_7 : vector<1000x128xf32>
    %mul3A = vector.broadcast %get3A_1 : vector<1000x1xf32> to vector<1000x128xf32>
    %mul3A_8 = arith.mulf %mul3A, %add3A : vector<1000x128xf32>
    %get3A_9 = arith.constant 0 : index
    %get3A_10 = arith.constant 0 : index
    %get3A_11 = vector.load %arg5[%get3A_9, %get3A_10] : memref<1000x1xf32, #tpu.memory_space<vmem>>, vector<1000x1xf32>
    %get3A_12 = arith.constant 0 : index
    %get3A_13 = arith.constant 0 : index
    %get3A_14 = vector.load %arg3[%get3A_12, %get3A_13] : memref<1000x128xf32, #tpu.memory_space<vmem>>, vector<1000x128xf32>
    %mul3A_15 = vector.broadcast %get3A_11 : vector<1000x1xf32> to vector<1000x128xf32>
    %mul3A_16 = arith.mulf %mul3A_15, %get3A_14 : vector<1000x128xf32>
    %add3A_17 = arith.addf %mul3A_8, %mul3A_16 : vector<1000x128xf32>
    %get3A_18 = arith.constant 0 : index
    %get3A_19 = arith.constant 0 : index
    %get3A_20 = vector.load %arg6[%get3A_18, %get3A_19] : memref<1x128xf32, #tpu.memory_space<vmem>>, vector<1x128xf32>
    %add3A_21 = vector.broadcast %get3A_20 : vector<1x128xf32> to vector<1000x128xf32>
    %add3A_22 = arith.addf %add3A_17, %add3A_21 : vector<1000x128xf32>
    %get3A_23 = arith.constant 0 : index
    %get3A_24 = arith.constant 0 : index
    %get3A_25 = vector.load %arg7[%get3A_23, %get3A_24] : memref<128x128xf32, #tpu.memory_space<vmem>>, vector<128x128xf32>
    %dot_general3A = arith.constant dense<0.000000e+00> : vector<1000x128xf32>
    %dot_general3A_26 = tpu.matmul %add3A_22, %get3A_25, %dot_general3A {dimension_numbers = #tpu.dot_dimension_numbers<[1], [0], [0], [1], [0, 0, 1, 1], [], []>, transpose_lhs_hint = false} : vector<1000x128xf32>, vector<128x128xf32>, vector<1000x128xf32> -> vector<1000x128xf32>
    %swap3A = arith.constant 0 : index
    %swap3A_27 = arith.constant 0 : index
    %swap3A_28 = vector.load %arg8[%swap3A, %swap3A_27] : memref<1000x128xf32, #tpu.memory_space<vmem>>, vector<1000x128xf32>
    tpu.vector_store %arg8[%swap3A, %swap3A_27], %dot_general3A_26 {strides = array<i32>} : memref<1000x128xf32, #tpu.memory_space<vmem>>, vector<1000x128xf32>,
    %get3A_29 = arith.constant 0 : index
    %get3A_30 = arith.constant 0 : index
    %get3A_31 = vector.load %arg4[%get3A_29, %get3A_30] : memref<1000x1xf32, #tpu.memory_space<vmem>>, vector<1000x1xf32>
    %mul3A_32 = vector.broadcast %get3A_31 : vector<1000x1xf32> to vector<1000x128xf32>
    %mul3A_33 = arith.mulf %mul3A_32, %dot_general3A_26 : vector<1000x128xf32>
    %swap3A_34 = arith.constant 0 : index
    %swap3A_35 = arith.constant 0 : index
    %swap3A_36 = vector.load %arg9[%swap3A_34, %swap3A_35] : memref<1000x128xf32, #tpu.memory_space<vmem>>, vector<1000x128xf32>
    tpu.vector_store %arg9[%swap3A_34, %swap3A_35], %mul3A_33 {strides = array<i32>} : memref<1000x128xf32, #tpu.memory_space<vmem>>, vector<1000x128xf32>,
    return
  }
  func.func @transform_0(%arg0: i32) -> (i32, i32) {
    %c0_i32 = arith.constant 0 : i32
    %c0_i32_0 = arith.constant 0 : i32
    return %arg0, %c0_i32 : i32, i32
  }
  func.func @transform_1(%arg0: i32) -> (i32, i32) {
    %add3A = arith.constant 10 : i32
    %add3A_0 = arith.addi %arg0, %add3A : i32
    %c0_i32 = arith.constant 0 : i32
    %c0_i32_1 = arith.constant 0 : i32
    return %add3A_0, %c0_i32 : i32, i32
  }
  func.func @transform_2(%arg0: i32) -> (i32, i32) {
    %c0_i32 = arith.constant 0 : i32
    %c0_i32_0 = arith.constant 0 : i32
    return %arg0, %c0_i32 : i32, i32
  }
  func.func @transform_3(%arg0: i32) -> (i32, i32) {
    %c0_i32 = arith.constant 0 : i32
    %c0_i32_0 = arith.constant 0 : i32
    return %arg0, %c0_i32 : i32, i32
  }
  func.func @transform_4(%arg0: i32) -> (i32, i32) {
    %c0_i32 = arith.constant 0 : i32
    %c0_i32_0 = arith.constant 0 : i32
    return %arg0, %c0_i32 : i32, i32
  }
  func.func @transform_5(%arg0: i32) -> (i32, i32) {
    %c0_i32 = arith.constant 0 : i32
    %c0_i32_0 = arith.constant 0 : i32
    %c0_i32_1 = arith.constant 0 : i32
    return %c0_i32, %c0_i32_0 : i32, i32
  }
  func.func @transform_6(%arg0: i32) -> (i32, i32) {
    %c0_i32 = arith.constant 0 : i32
    %c0_i32_0 = arith.constant 0 : i32
    %c0_i32_1 = arith.constant 0 : i32
    return %c0_i32, %c0_i32_0 : i32, i32
  }
  func.func @transform_7(%arg0: i32) -> (i32, i32) {
    %c0_i32 = arith.constant 0 : i32
    %c0_i32_0 = arith.constant 0 : i32
    return %arg0, %c0_i32 : i32, i32
  }
  func.func @transform_8(%arg0: i32) -> (i32, i32) {
    %c0_i32 = arith.constant 0 : i32
    %c0_i32_0 = arith.constant 0 : i32
    return %arg0, %c0_i32 : i32, i32
  }
}

module attributes {stable_mosaic.version = 14 : i64} {
  func.func @_cmb_body(%arg0: i32, %arg1: memref<1000x128xf32, #tpu.memory_space<vmem>>, %arg2: memref<1000x128xf32, #tpu.memory_space<vmem>>, %arg3: memref<1000x128xf32, #tpu.memory_space<vmem>>, %arg4: memref<1000x1xf32, #tpu.memory_space<vmem>>, %arg5: memref<1000x1xf32, #tpu.memory_space<vmem>>, %arg6: memref<1x128xf32, #tpu.memory_space<vmem>>, %arg7: memref<1000x128xf32, #tpu.memory_space<vmem>>) attributes {dimension_semantics = [#tpu.dimension_semantics<arbitrary>], iteration_bounds = array<i64: 10>, scalar_prefetch = 0 : i64, scratch_operands = 0 : i64, tpu.core_type = #tpu.core_type<tc>, window_params = [{transform_indices = @transform_0, window_bounds = array<i64: 1000, 128>}, {transform_indices = @transform_1, window_bounds = array<i64: 1000, 128>}, {transform_indices = @transform_2, window_bounds = array<i64: 1000, 128>}, {transform_indices = @transform_3, window_bounds = array<i64: 1000, 1>}, {transform_indices = @transform_4, window_bounds = array<i64: 1000, 1>}, {pipeline_mode = #tpu.pipeline_mode<synchronous>, transform_indices = @transform_5, window_bounds = array<i64: 1, 128>}, {transform_indices = @transform_6, window_bounds = array<i64: 1000, 128>}]} {
    %get3A = arith.constant 0 : index
    %get3A_0 = arith.constant 0 : index
    %get3A_1 = vector.load %arg4[%get3A, %get3A_0] : memref<1000x1xf32, #tpu.memory_space<vmem>>, vector<1000x1xf32>
    %get3A_2 = arith.constant 0 : index
    %get3A_3 = arith.constant 0 : index
    %get3A_4 = vector.load %arg1[%get3A_2, %get3A_3] : memref<1000x128xf32, #tpu.memory_space<vmem>>, vector<1000x128xf32>
    %get3A_5 = arith.constant 0 : index
    %get3A_6 = arith.constant 0 : index
    %get3A_7 = vector.load %arg2[%get3A_5, %get3A_6] : memref<1000x128xf32, #tpu.memory_space<vmem>>, vector<1000x128xf32>
    %add3A = arith.addf %get3A_4, %get3A_7 : vector<1000x128xf32>
    %mul3A = vector.broadcast %get3A_1 : vector<1000x1xf32> to vector<1000x128xf32>
    %mul3A_8 = arith.mulf %mul3A, %add3A : vector<1000x128xf32>
    %get3A_9 = arith.constant 0 : index
    %get3A_10 = arith.constant 0 : index
    %get3A_11 = vector.load %arg5[%get3A_9, %get3A_10] : memref<1000x1xf32, #tpu.memory_space<vmem>>, vector<1000x1xf32>
    %get3A_12 = arith.constant 0 : index
    %get3A_13 = arith.constant 0 : index
    %get3A_14 = vector.load %arg3[%get3A_12, %get3A_13] : memref<1000x128xf32, #tpu.memory_space<vmem>>, vector<1000x128xf32>
    %mul3A_15 = vector.broadcast %get3A_11 : vector<1000x1xf32> to vector<1000x128xf32>
    %mul3A_16 = arith.mulf %mul3A_15, %get3A_14 : vector<1000x128xf32>
    %add3A_17 = arith.addf %mul3A_8, %mul3A_16 : vector<1000x128xf32>
    %get3A_18 = arith.constant 0 : index
    %get3A_19 = arith.constant 0 : index
    %get3A_20 = vector.load %arg6[%get3A_18, %get3A_19] : memref<1x128xf32, #tpu.memory_space<vmem>>, vector<1x128xf32>
    %add3A_21 = vector.broadcast %get3A_20 : vector<1x128xf32> to vector<1000x128xf32>
    %add3A_22 = arith.addf %add3A_17, %add3A_21 : vector<1000x128xf32>
    %swap3A = arith.constant 0 : index
    %swap3A_23 = arith.constant 0 : index
    %swap3A_24 = vector.load %arg7[%swap3A, %swap3A_23] : memref<1000x128xf32, #tpu.memory_space<vmem>>, vector<1000x128xf32>
    tpu.vector_store %arg7[%swap3A, %swap3A_23], %add3A_22 {strides = array<i32>} : memref<1000x128xf32, #tpu.memory_space<vmem>>, vector<1000x128xf32>,
    return
  }
  func.func @transform_0(%arg0: i32) -> (i32, i32) {
    %c0_i32 = arith.constant 0 : i32
    %c0_i32_0 = arith.constant 0 : i32
    return %arg0, %c0_i32 : i32, i32
  }
  func.func @transform_1(%arg0: i32) -> (i32, i32) {
    %add3A = arith.constant 10 : i32
    %add3A_0 = arith.addi %arg0, %add3A : i32
    %c0_i32 = arith.constant 0 : i32
    %c0_i32_1 = arith.constant 0 : i32
    return %add3A_0, %c0_i32 : i32, i32
  }
  func.func @transform_2(%arg0: i32) -> (i32, i32) {
    %c0_i32 = arith.constant 0 : i32
    %c0_i32_0 = arith.constant 0 : i32
    return %arg0, %c0_i32 : i32, i32
  }
  func.func @transform_3(%arg0: i32) -> (i32, i32) {
    %c0_i32 = arith.constant 0 : i32
    %c0_i32_0 = arith.constant 0 : i32
    return %arg0, %c0_i32 : i32, i32
  }
  func.func @transform_4(%arg0: i32) -> (i32, i32) {
    %c0_i32 = arith.constant 0 : i32
    %c0_i32_0 = arith.constant 0 : i32
    return %arg0, %c0_i32 : i32, i32
  }
  func.func @transform_5(%arg0: i32) -> (i32, i32) {
    %c0_i32 = arith.constant 0 : i32
    %c0_i32_0 = arith.constant 0 : i32
    %c0_i32_1 = arith.constant 0 : i32
    return %c0_i32, %c0_i32_0 : i32, i32
  }
  func.func @transform_6(%arg0: i32) -> (i32, i32) {
    %c0_i32 = arith.constant 0 : i32
    %c0_i32_0 = arith.constant 0 : i32
    return %arg0, %c0_i32 : i32, i32
  }
}

module attributes {stable_mosaic.version = 14 : i64} {
  func.func @_gin_body(%arg0: i32, %arg1: memref<1000x128xf32, #tpu.memory_space<vmem>>, %arg2: memref<1000x128xf32, #tpu.memory_space<vmem>>, %arg3: memref<1000x128xf32, #tpu.memory_space<vmem>>, %arg4: memref<128x128xf32, #tpu.memory_space<vmem>>, %arg5: memref<1x128xf32, #tpu.memory_space<vmem>>, %arg6: memref<128x1xf32, #tpu.memory_space<vmem>>, %arg7: memref<1x1xf32, #tpu.memory_space<vmem>>, %arg8: memref<128x128xf32, #tpu.memory_space<vmem>>, %arg9: memref<1x128xf32, #tpu.memory_space<vmem>>, %arg10: memref<128x1xf32, #tpu.memory_space<vmem>>, %arg11: memref<1x1xf32, #tpu.memory_space<vmem>>, %arg12: memref<1000x1xf32, #tpu.memory_space<vmem>>, %arg13: memref<1x1xf32, #tpu.memory_space<vmem>>, %arg14: memref<1x128xf32, #tpu.memory_space<vmem>>) attributes {dimension_semantics = [#tpu.dimension_semantics<arbitrary>], iteration_bounds = array<i64: 10>, scalar_prefetch = 0 : i64, scratch_operands = 1 : i64, tpu.core_type = #tpu.core_type<tc>, window_params = [{transform_indices = @transform_0, window_bounds = array<i64: 1000, 128>}, {transform_indices = @transform_1, window_bounds = array<i64: 1000, 128>}, {transform_indices = @transform_2, window_bounds = array<i64: 1000, 128>}, {pipeline_mode = #tpu.pipeline_mode<synchronous>, transform_indices = @transform_3, window_bounds = array<i64: 128, 128>}, {pipeline_mode = #tpu.pipeline_mode<synchronous>, transform_indices = @transform_4, window_bounds = array<i64: 1, 128>}, {pipeline_mode = #tpu.pipeline_mode<synchronous>, transform_indices = @transform_5, window_bounds = array<i64: 128, 1>}, {pipeline_mode = #tpu.pipeline_mode<synchronous>, transform_indices = @transform_6, window_bounds = array<i64: 1, 1>}, {pipeline_mode = #tpu.pipeline_mode<synchronous>, transform_indices = @transform_7, window_bounds = array<i64: 128, 128>}, {pipeline_mode = #tpu.pipeline_mode<synchronous>, transform_indices = @transform_8, window_bounds = array<i64: 1, 128>}, {pipeline_mode = #tpu.pipeline_mode<synchronous>, transform_indices = @transform_9, window_bounds = array<i64: 128, 1>}, {pipeline_mode = #tpu.pipeline_mode<synchronous>, transform_indices = @transform_10, window_bounds = array<i64: 1, 1>}, {transform_indices = @transform_11, window_bounds = array<i64: 1000, 1>}, {pipeline_mode = #tpu.pipeline_mode<synchronous>, transform_indices = @transform_12, window_bounds = array<i64: 1, 1>}]} {
    %get3A = arith.constant 0 : index
    %get3A_0 = arith.constant 0 : index
    %get3A_1 = vector.load %arg1[%get3A, %get3A_0] : memref<1000x128xf32, #tpu.memory_space<vmem>>, vector<1000x128xf32>
    %get3A_2 = arith.constant 0 : index
    %get3A_3 = arith.constant 0 : index
    %get3A_4 = vector.load %arg2[%get3A_2, %get3A_3] : memref<1000x128xf32, #tpu.memory_space<vmem>>, vector<1000x128xf32>
    %add3A = arith.addf %get3A_1, %get3A_4 : vector<1000x128xf32>
    %get3A_5 = arith.constant 0 : index
    %get3A_6 = arith.constant 0 : index
    %get3A_7 = vector.load %arg3[%get3A_5, %get3A_6] : memref<1000x128xf32, #tpu.memory_space<vmem>>, vector<1000x128xf32>
    %add3A_8 = arith.addf %add3A, %get3A_7 : vector<1000x128xf32>
    %get3A_9 = arith.constant 0 : index
    %get3A_10 = arith.constant 0 : index
    %get3A_11 = vector.load %arg4[%get3A_9, %get3A_10] : memref<128x128xf32, #tpu.memory_space<vmem>>, vector<128x128xf32>
    %dot_general3A = arith.constant dense<0.000000e+00> : vector<1000x128xf32>
    %dot_general3A_12 = tpu.matmul %add3A_8, %get3A_11, %dot_general3A {dimension_numbers = #tpu.dot_dimension_numbers<[1], [0], [0], [1], [0, 0, 1, 1], [], []>, transpose_lhs_hint = false} : vector<1000x128xf32>, vector<128x128xf32>, vector<1000x128xf32> -> vector<1000x128xf32>
    %get3A_13 = arith.constant 0 : index
    %get3A_14 = arith.constant 0 : index
    %get3A_15 = vector.load %arg5[%get3A_13, %get3A_14] : memref<1x128xf32, #tpu.memory_space<vmem>>, vector<1x128xf32>
    %add3A_16 = vector.broadcast %get3A_15 : vector<1x128xf32> to vector<1000x128xf32>
    %add3A_17 = arith.addf %dot_general3A_12, %add3A_16 : vector<1000x128xf32>
    %gt3A = arith.constant 0.000000e+00 : f32
    %gt3A_18 = vector.broadcast %gt3A : f32 to vector<1000x128xf32>
    %gt3A_19 = arith.cmpf ogt, %add3A_17, %gt3A_18 : vector<1000x128xf32>
    %exp3A = math.exp %add3A_17 : vector<1000x128xf32>
    %sub3A = arith.constant 1.000000e+00 : f32
    %sub3A_20 = vector.broadcast %sub3A : f32 to vector<1000x128xf32>
    %sub3A_21 = arith.subf %exp3A, %sub3A_20 : vector<1000x128xf32>
    %select_n3A = arith.select %gt3A_19, %add3A_17, %sub3A_21 : vector<1000x128xi1>, vector<1000x128xf32>
    %get3A_22 = arith.constant 0 : index
    %get3A_23 = arith.constant 0 : index
    %get3A_24 = vector.load %arg6[%get3A_22, %get3A_23] : memref<128x1xf32, #tpu.memory_space<vmem>>, vector<128x1xf32>
    %dot_general3A_25 = arith.constant dense<0.000000e+00> : vector<1000x1xf32>
    %dot_general3A_26 = tpu.matmul %select_n3A, %get3A_24, %dot_general3A_25 {dimension_numbers = #tpu.dot_dimension_numbers<[1], [0], [0], [1], [0, 0, 1, 1], [], []>, transpose_lhs_hint = false} : vector<1000x128xf32>, vector<128x1xf32>, vector<1000x1xf32> -> vector<1000x1xf32>
    %get3A_27 = arith.constant 0 : index
    %get3A_28 = arith.constant 0 : index
    %get3A_29 = vector.load %arg7[%get3A_27, %get3A_28] : memref<1x1xf32, #tpu.memory_space<vmem>>, vector<1x1xf32>
    %add3A_30 = vector.broadcast %get3A_29 : vector<1x1xf32> to vector<1000x1xf32>
    %add3A_31 = arith.addf %dot_general3A_26, %add3A_30 : vector<1000x1xf32>
    %swap3A = arith.constant 0 : index
    %swap3A_32 = arith.constant 0 : index
    %swap3A_33 = vector.load %arg12[%swap3A, %swap3A_32] : memref<1000x1xf32, #tpu.memory_space<vmem>>, vector<1000x1xf32>
    tpu.vector_store %arg12[%swap3A, %swap3A_32], %add3A_31 {strides = array<i32>} : memref<1000x1xf32, #tpu.memory_space<vmem>>, vector<1000x1xf32>,
    %get3A_34 = arith.constant 0 : index
    %get3A_35 = arith.constant 0 : index
    %get3A_36 = vector.load %arg8[%get3A_34, %get3A_35] : memref<128x128xf32, #tpu.memory_space<vmem>>, vector<128x128xf32>
    %dot_general3A_37 = arith.constant dense<0.000000e+00> : vector<1000x128xf32>
    %dot_general3A_38 = tpu.matmul %add3A_8, %get3A_36, %dot_general3A_37 {dimension_numbers = #tpu.dot_dimension_numbers<[1], [0], [0], [1], [0, 0, 1, 1], [], []>, transpose_lhs_hint = false} : vector<1000x128xf32>, vector<128x128xf32>, vector<1000x128xf32> -> vector<1000x128xf32>
    %get3A_39 = arith.constant 0 : index
    %get3A_40 = arith.constant 0 : index
    %get3A_41 = vector.load %arg9[%get3A_39, %get3A_40] : memref<1x128xf32, #tpu.memory_space<vmem>>, vector<1x128xf32>
    %add3A_42 = vector.broadcast %get3A_41 : vector<1x128xf32> to vector<1000x128xf32>
    %add3A_43 = arith.addf %dot_general3A_38, %add3A_42 : vector<1000x128xf32>
    %gt3A_44 = arith.constant 0.000000e+00 : f32
    %gt3A_45 = vector.broadcast %gt3A_44 : f32 to vector<1000x128xf32>
    %gt3A_46 = arith.cmpf ogt, %add3A_43, %gt3A_45 : vector<1000x128xf32>
    %exp3A_47 = math.exp %add3A_43 : vector<1000x128xf32>
    %sub3A_48 = arith.constant 1.000000e+00 : f32
    %sub3A_49 = vector.broadcast %sub3A_48 : f32 to vector<1000x128xf32>
    %sub3A_50 = arith.subf %exp3A_47, %sub3A_49 : vector<1000x128xf32>
    %select_n3A_51 = arith.select %gt3A_46, %add3A_43, %sub3A_50 : vector<1000x128xi1>, vector<1000x128xf32>
    %reduce_sum3A = arith.constant dense<0.000000e+00> : vector<128xf32>
    %reduce_sum3A_52 = vector.multi_reduction <add>, %select_n3A_51, %reduce_sum3A [0] : vector<1000x128xf32> to vector<128xf32>
    %broadcast_in_dim3A = vector.shape_cast %reduce_sum3A_52 : vector<128xf32> to vector<1x128xf32>
    %eq3A = arith.constant 0 : i32
    %eq3A_53 = arith.cmpi eq, %arg0, %eq3A : i32
    %convert_element_type3A = arith.extui %eq3A_53 : i1 to i32
    %cond3A = arith.constant 0 : i32
    %cond3A_54 = arith.cmpi ne, %convert_element_type3A, %cond3A : i32
    scf.if %cond3A_54 {
      %swap3A_65 = arith.constant 0 : index
      %swap3A_66 = arith.constant 0 : index
      %swap3A_67 = vector.load %arg14[%swap3A_65, %swap3A_66] : memref<1x128xf32, #tpu.memory_space<vmem>>, vector<1x128xf32>
      tpu.vector_store %arg14[%swap3A_65, %swap3A_66], %broadcast_in_dim3A {strides = array<i32>} : memref<1x128xf32, #tpu.memory_space<vmem>>, vector<1x128xf32>,
    } else {
    }
    %gt3A_55 = arith.constant 0 : i32
    %gt3A_56 = arith.cmpi sgt, %arg0, %gt3A_55 : i32
    %convert_element_type3A_57 = arith.extui %gt3A_56 : i1 to i32
    %cond3A_58 = arith.constant 0 : i32
    %cond3A_59 = arith.cmpi ne, %convert_element_type3A_57, %cond3A_58 : i32
    scf.if %cond3A_59 {
      %get3A_65 = arith.constant 0 : index
      %get3A_66 = arith.constant 0 : index
      %get3A_67 = vector.load %arg14[%get3A_65, %get3A_66] : memref<1x128xf32, #tpu.memory_space<vmem>>, vector<1x128xf32>
      %add3A_68 = arith.addf %get3A_67, %broadcast_in_dim3A : vector<1x128xf32>
      %swap3A_69 = arith.constant 0 : index
      %swap3A_70 = arith.constant 0 : index
      %swap3A_71 = vector.load %arg14[%swap3A_69, %swap3A_70] : memref<1x128xf32, #tpu.memory_space<vmem>>, vector<1x128xf32>
      tpu.vector_store %arg14[%swap3A_69, %swap3A_70], %add3A_68 {strides = array<i32>} : memref<1x128xf32, #tpu.memory_space<vmem>>, vector<1x128xf32>,
    } else {
    }
    %eq3A_60 = arith.constant 9 : i32
    %eq3A_61 = arith.cmpi eq, %arg0, %eq3A_60 : i32
    %convert_element_type3A_62 = arith.extui %eq3A_61 : i1 to i32
    %cond3A_63 = arith.constant 0 : i32
    %cond3A_64 = arith.cmpi ne, %convert_element_type3A_62, %cond3A_63 : i32
    scf.if %cond3A_64 {
      %get3A_65 = arith.constant 0 : index
      %get3A_66 = arith.constant 0 : index
      %get3A_67 = vector.load %arg14[%get3A_65, %get3A_66] : memref<1x128xf32, #tpu.memory_space<vmem>>, vector<1x128xf32>
      %div3A = arith.constant 1.000000e+04 : f32
      %div3A_68 = vector.broadcast %div3A : f32 to vector<1x128xf32>
      %div3A_69 = arith.divf %get3A_67, %div3A_68 : vector<1x128xf32>
      %get3A_70 = arith.constant 0 : index
      %get3A_71 = arith.constant 0 : index
      %get3A_72 = vector.load %arg10[%get3A_70, %get3A_71] : memref<128x1xf32, #tpu.memory_space<vmem>>, vector<128x1xf32>
      %dot_general3A_73 = arith.constant dense<0.000000e+00> : vector<1x1xf32>
      %dot_general3A_74 = tpu.matmul %div3A_69, %get3A_72, %dot_general3A_73 {dimension_numbers = #tpu.dot_dimension_numbers<[1], [0], [0], [1], [0, 0, 1, 1], [], []>, transpose_lhs_hint = false} : vector<1x128xf32>, vector<128x1xf32>, vector<1x1xf32> -> vector<1x1xf32>
      %get3A_75 = arith.constant 0 : index
      %get3A_76 = arith.constant 0 : index
      %get3A_77 = vector.load %arg11[%get3A_75, %get3A_76] : memref<1x1xf32, #tpu.memory_space<vmem>>, vector<1x1xf32>
      %add3A_78 = arith.addf %dot_general3A_74, %get3A_77 : vector<1x1xf32>
      %swap3A_79 = arith.constant 0 : index
      %swap3A_80 = arith.constant 0 : index
      %swap3A_81 = vector.load %arg13[%swap3A_79, %swap3A_80] : memref<1x1xf32, #tpu.memory_space<vmem>>, vector<1x1xf32>
      tpu.vector_store %arg13[%swap3A_79, %swap3A_80], %add3A_78 {strides = array<i32>} : memref<1x1xf32, #tpu.memory_space<vmem>>, vector<1x1xf32>,
    } else {
    }
    return
  }
  func.func @transform_0(%arg0: i32) -> (i32, i32) {
    %c0_i32 = arith.constant 0 : i32
    %c0_i32_0 = arith.constant 0 : i32
    return %arg0, %c0_i32 : i32, i32
  }
  func.func @transform_1(%arg0: i32) -> (i32, i32) {
    %c0_i32 = arith.constant 0 : i32
    %c0_i32_0 = arith.constant 0 : i32
    return %arg0, %c0_i32 : i32, i32
  }
  func.func @transform_2(%arg0: i32) -> (i32, i32) {
    %add3A = arith.constant 10 : i32
    %add3A_0 = arith.addi %arg0, %add3A : i32
    %c0_i32 = arith.constant 0 : i32
    %c0_i32_1 = arith.constant 0 : i32
    return %add3A_0, %c0_i32 : i32, i32
  }
  func.func @transform_3(%arg0: i32) -> (i32, i32) {
    %c0_i32 = arith.constant 0 : i32
    %c0_i32_0 = arith.constant 0 : i32
    %c0_i32_1 = arith.constant 0 : i32
    return %c0_i32, %c0_i32_0 : i32, i32
  }
  func.func @transform_4(%arg0: i32) -> (i32, i32) {
    %c0_i32 = arith.constant 0 : i32
    %c0_i32_0 = arith.constant 0 : i32
    %c0_i32_1 = arith.constant 0 : i32
    return %c0_i32, %c0_i32_0 : i32, i32
  }
  func.func @transform_5(%arg0: i32) -> (i32, i32) {
    %c0_i32 = arith.constant 0 : i32
    %c0_i32_0 = arith.constant 0 : i32
    %c0_i32_1 = arith.constant 0 : i32
    return %c0_i32, %c0_i32_0 : i32, i32
  }
  func.func @transform_6(%arg0: i32) -> (i32, i32) {
    %c0_i32 = arith.constant 0 : i32
    %c0_i32_0 = arith.constant 0 : i32
    %c0_i32_1 = arith.constant 0 : i32
    return %c0_i32, %c0_i32_0 : i32, i32
  }
  func.func @transform_7(%arg0: i32) -> (i32, i32) {
    %c0_i32 = arith.constant 0 : i32
    %c0_i32_0 = arith.constant 0 : i32
    %c0_i32_1 = arith.constant 0 : i32
    return %c0_i32, %c0_i32_0 : i32, i32
  }
  func.func @transform_8(%arg0: i32) -> (i32, i32) {
    %c0_i32 = arith.constant 0 : i32
    %c0_i32_0 = arith.constant 0 : i32
    %c0_i32_1 = arith.constant 0 : i32
    return %c0_i32, %c0_i32_0 : i32, i32
  }
  func.func @transform_9(%arg0: i32) -> (i32, i32) {
    %c0_i32 = arith.constant 0 : i32
    %c0_i32_0 = arith.constant 0 : i32
    %c0_i32_1 = arith.constant 0 : i32
    return %c0_i32, %c0_i32_0 : i32, i32
  }
  func.func @transform_10(%arg0: i32) -> (i32, i32) {
    %c0_i32 = arith.constant 0 : i32
    %c0_i32_0 = arith.constant 0 : i32
    %c0_i32_1 = arith.constant 0 : i32
    return %c0_i32, %c0_i32_0 : i32, i32
  }
  func.func @transform_11(%arg0: i32) -> (i32, i32) {
    %c0_i32 = arith.constant 0 : i32
    %c0_i32_0 = arith.constant 0 : i32
    return %arg0, %c0_i32 : i32, i32
  }
  func.func @transform_12(%arg0: i32) -> (i32, i32) {
    %c0_i32 = arith.constant 0 : i32
    %c0_i32_0 = arith.constant 0 : i32
    %c0_i32_1 = arith.constant 0 : i32
    return %c0_i32, %c0_i32_0 : i32, i32
  }
}

</mosaic_0001>

<sc_bundles>
// kernel: kernel.13.cloned.1.call-start
scs
__scs_entry_jumppad:
0x0: {  	(pc) =	sbr.rel $0x88, $3  }
0x1: {  	(tag) =	ssettag $0x0;
	lr =	simm.s32 $0x1  }
0x2: {  	[smem:$0x3F91] =	sst lr;
	_ =	strace $0xD0000000  }
0x3: {  	_ = 	snop  }
0x4: {  	_ = 	snop  }
0x5: {  	_ = 	snop  }
0x6: {  	_ = 	snop  }
0x7: {  	_ = 	snop  }
__scs_overlays_trampoline_lowered:
0x8: {  	[smem:$0x3FA0] =	sst s0  }
0x9: {  	[smem:$0x3FA1] =	sst s1  }
0xa: {  	[smem:$0x3FA2] =	sst s2  }
0xb: {  	[smem:$0x3FA3] =	sst s3  }
0xc: {  	[smem:$0x3FA4] =	sst s4  }
0xd: {  	[smem:$0x3FA5] =	sst s5  }
0xe: {  	[smem:$0x3FA6] =	sst s6  }
0xf: {  	[smem:$0x3FA7] =	sst s7  }
0x10: {  	[smem:$0x3FA8] =	sst s8  }
0x11: {  	[smem:$0x3FA9] =	sst s9;
	s0 =	simm.s32 @!p0 $0x0  }
0x12: {  	s1 =	sld [smem:$0x3F8F];
	s0 =	simm.s32 @p0 $0x1  }
0x13: {  	[smem:$0x3FAA] =	sst s0;
	s0 =	simm.s32 @!p1 $0x0  }
0x14: {  	s2 =	sld [smem:$0x3F8E];
	s0 =	simm.s32 @p1 $0x1  }
0x15: {  	[smem:$0x3FAB] =	sst s0;
	s0 =	simm.s32 @!p2 $0x0  }
0x16: {  	s3 =	sld [smem:$0x3FDB];
	s0 =	simm.s32 @p2 $0x1  }
0x17: {  	s4 =	simm.s32 $0x1BF5;
	[smem:$0x3FAD] =	sst s0  }
0x18: {  	s0 =	sld [smem:$0x3F90];
	_ =	swait.ge [sflag:s4], $0x0  }
0x19: {  	s7 =	sld [smem:$0x3F91]  }
0x1a: {  	s8 =	sadd.s32 $0xFFFFE003, lr  }
0x1b: {  	s9 =	sadd.s32 $0xFFFFFEF7, lr;
	s5 =	simm.s32 $0xFFFFFFFF;
	p2 =	slt.u32 s8, $0xFFFFF086  }
0x1c: {  	p1 =	slt.u32 s9, $0xF7A;
	s5 =	simm.s32 @!p2 $0x0  }
0x1d: {  	s5 =	simm.s32 @p1 $0x1;
	p0 =	seq.s32 s7, s2  }
0x1e: {  	s7 =	smul.u32 @!p0 $0xF7A, s2;
	p2 =	seq.s32 @!p0 s5, $0x0  }
0x1f: {  	s9 =	smul.u32 $0xF7A, s1;
	s8 =	simm.s32 @!p0 $0x1BF5;
	p2 =	por !p2, p0  }
0x20: {  	[sflag:s8] =	ssyncset.s32 @!p0 $0xFFFFF086;
	s6 =	sadd.s32 @!p0 s3, s7;
	s7 =	simm.s32 @!p0 $0x108  }
0x21: {  	s3 =	sadd.s32 s3, s9;
	s6 =	sadd.s32 @!p0 $0x88, s6;
	s7 =	simm.s32 @p2 $0x1082  }
0x22: {  	[simem:s7], [sflag:s8] =	dma.local @!p0 [hbm:s6], $0xF7A  }
0x23: {  	s9 =	sor.u32 $0xD0000000, s2;
	s6 =	simm.s32 $0x108;
	_ =	swait.ge @!p0 [sflag:s8], $0x0  }
0x24: {  	s3 =	sadd.s32 $0x88, s3;
	s6 =	simm.s32 @!p1 $0x1082;
	[sflag:s4] =	ssyncset.s32 $0xFFFFF086  }
0x25: {  	[simem:s6], [sflag:s4] =	dma.local [hbm:s3], $0xF7A  }
0x26: {  	[smem:$0x3F91] =	sst s1;
	(tag) =	ssettag s2;
	_ =	strace s9  }
0x27: {  	s1 =	sld [smem:$0x3FA1]  }
0x28: {  	s2 =	sld [smem:$0x3FA2]  }
0x29: {  	s4 =	sld [smem:$0x3FA4]  }
0x2a: {  	p0 =	seq.s32 s5, $0x0;
	s5 =	sld [smem:$0x3FA5]  }
0x2b: {  	s6 =	sld [smem:$0x3FA6]  }
0x2c: {  	s7 =	sld [smem:$0x3FA7]  }
0x2d: {  	s3 =	simm.s32 $0x108;
	s8 =	sld [smem:$0x3FA8]  }
0x2e: {  	s3 =	simm.s32 @!p0 $0x1082;
	s9 =	sld [smem:$0x3FA9]  }
0x2f: {  	lr =	sadd.s32 s0, s3;
	s0 =	sld [smem:$0x3FA0]  }
0x30: {  	s3 =	sld [smem:$0x3FA3]  }
0x31: {  	[smem:$0x3FAC] =	sst s10  }
0x32: {  	s10 =	sld [smem:$0x3FAA];
	_ =	sdelay $0x3  }
0x33: {  	p0 =	seq.s32 s10, $0x1;
	s10 =	sld [smem:$0x3FAC];
	_ =	sdelay $0x3  }
0x34: {  	[smem:$0x3FAC] =	sst s10  }
0x35: {  	s10 =	sld [smem:$0x3FAB];
	_ =	sdelay $0x3  }
0x36: {  	p1 =	seq.s32 s10, $0x1;
	s10 =	sld [smem:$0x3FAC];
	_ =	sdelay $0x3  }
0x37: {  	[smem:$0x3FAC] =	sst s10  }
0x38: {  	s10 =	sld [smem:$0x3FAD]  }
0x39: {  	_ = 	snop;
	(pc) =	sbr.ind lr, $3  }
0x3a: {  	_ = 	snop  }
0x3b: {  	_ = 	snop  }
0x3c: {  	p2 =	seq.s32 s10, $0x1;
	s10 =	sld [smem:$0x3FAC]  }
0x3d: {  	_ =	shalt  }
0x3e: {  	_ =	shalt  }
0x3f: {  	_ =	shalt  }
0x40: {  	_ =	shalt  }
0x41: {  	_ =	shalt  }
0x42: {  	_ =	shalt  }
0x43: {  	_ =	shalt  }
0x44: {  	_ =	shalt  }
0x45: {  	_ =	shalt  }
0x46: {  	_ =	shalt  }
0x47: {  	_ =	shalt  }
0x48: {  	_ =	shalt  }
0x49: {  	_ =	shalt  }
0x4a: {  	_ =	shalt  }
0x4b: {  	_ =	shalt  }
0x4c: {  	_ =	shalt  }
0x4d: {  	_ =	shalt  }
0x4e: {  	_ =	shalt  }
0x4f: {  	_ =	shalt  }
0x50: {  	_ =	shalt  }
0x51: {  	_ =	shalt  }
0x52: {  	_ =	shalt  }
0x53: {  	_ =	shalt  }
0x54: {  	_ =	shalt  }
0x55: {  	_ =	shalt  }
0x56: {  	_ =	shalt  }
0x57: {  	_ =	shalt  }
0x58: {  	_ =	shalt  }
0x59: {  	_ =	shalt  }
0x5a: {  	_ =	shalt  }
0x5b: {  	_ =	shalt  }
0x5c: {  	_ =	shalt  }
0x5d: {  	_ =	shalt  }
0x5e: {  	_ =	shalt  }
0x5f: {  	_ =	shalt  }
0x60: {  	_ =	shalt  }
0x61: {  	_ =	shalt  }
0x62: {  	_ =	shalt  }
0x63: {  	_ =	shalt  }
0x64: {  	_ =	shalt  }
0x65: {  	_ =	shalt  }
0x66: {  	_ =	shalt  }
0x67: {  	_ =	shalt  }
0x68: {  	_ =	shalt  }
0x69: {  	_ =	shalt  }
0x6a: {  	_ =	shalt  }
0x6b: {  	_ =	shalt  }
0x6c: {  	_ =	shalt  }
0x6d: {  	_ =	shalt  }
0x6e: {  	_ =	shalt  }
0x6f: {  	_ =	shalt  }
0x70: {  	_ =	shalt  }
0x71: {  	_ =	shalt  }
0x72: {  	_ =	shalt  }
0x73: {  	_ =	shalt  }
0x74: {  	_ =	shalt  }
0x75: {  	_ =	shalt  }
0x76: {  	_ =	shalt  }
0x77: {  	_ =	shalt  }
0x78: {  	_ =	shalt  }
0x79: {  	_ =	shalt  }
0x7a: {  	_ =	shalt  }
0x7b: {  	_ =	shalt  }
0x7c: {  	_ =	shalt  }
0x7d: {  	_ =	shalt  }
0x7e: {  	_ =	shalt  }
0x7f: {  	_ =	shalt  }
0x80: {  	_ =	shalt  }
0x81: {  	_ =	shalt  }
0x82: {  	_ =	shalt  }
0x83: {  	_ =	shalt  }
0x84: {  	_ =	shalt  }
0x85: {  	_ =	shalt  }
0x86: {  	_ =	shalt  }
0x87: {  	_ =	shalt  }
.Lfunc_end0:
.L_simem_size_0:
called_computation_lowered:
.L_overlay_start_0:
0x88: {  	s2 =	sld [smem:$0x3FD9]  }
0x89: {  	s3 =	sld [smem:$0x3FFE];
	_ =	sdelay $0x1  }
0x8a: {  	s1 =	srdreg.scid  }
0x8b: {  	s0 =	sand.u32 $0x1, s1  }
0x8c: {  	s14 =	sshll.u32 s0, $0xA;
	s2 =	sadd.s32 s3, s2  }
0x8d: {  	s2 =	sadd.s32 s2, s14  }
0x8e: {  	[smem:$0x3FB8] =	sst s2  }
0x8f: {  	_ = 	snop  }
0x90: {  	s2 =	sld [smem:$0x3FD0];
	_ =	sdelay $0x2  }
0x91: {  	s15 =	simm.s32 $0xA;
	s4 =	simm.s32 $0x10  }
0x92: {  	[smem:s4], [sflag:s15] =	dma.local [hbm:s2], $0x1  }
0x93: {  	_ =	swait.eq [sflag:s15], $0x1  }
0x94: {  	[sflag:s15] =	ssyncset.done $0x0  }
0x95: {  	[sflag:s15] =	ssyncadd.s32 $0xFFFFFFFF  }
0x96: {  	s16 =	sld [smem:$0x11];
	(tm) =	ssettm $0x1  }
0x97: {  	s17 =	sld [smem:$0x3FFB];
	_ =	sdelay $0x3  }
0x98: {  	_ =	strace s17  }
0x99: {  	s3 =	sld [smem:$0x3FFC];
	_ =	sdelay $0x3  }
0x9a: {  	_ =	strace s3  }
0x9b: {  	s3 =	sld [smem:$0x3FFD];
	_ =	sdelay $0x3  }
0x9c: {  	_ =	strace s3  }
0x9d: {  	_ =	strace $0x8FFFFFFF  }
0x9e: {  	s18 =	sld [smem:$0x3FDB];
	_ =	sdelay $0x1  }
0x9f: {  	s19 =	simm.s32 $_scs_section_size  }
0xa0: {  	s5 =	simm.s32 $_size__tile_overlayer_lowered;
	s6 =	simm.s32 $_tile_overlayer_lowered  }
0xa1: {  	s22 =	simm.s32 $0x1BFF;
	s21 =	sshll.u32 s6, $0x1;
	s3 =	sadd.s32 s19, s18  }
0xa2: {  	s7 =	simm.s32 $0x0;
	s20 =	sshll.u32 s5, $0x1;
	s5 =	sadd.s32 s21, s3  }
0xa3: {  	[timem:s7], [sflag:s22] =	dma.local [hbm:s5], s20  }
0xa4: {  	_ =	swait.ge [sflag:s22], s20  }
0xa5: {  	s4 =	ssub.s32 $0x0, s20;
	[sflag:s22] =	ssyncset.done $0x0  }
0xa6: {  	[sflag:s22] =	ssyncadd.s32 s4;
	_ =	sdelay $0x1  }
0xa7: {  	s23 =	simm.s32 $0x1B8B  }
0xa8: {  	_ =	swait.ge [sflag:s23], $0x1  }
0xa9: {  	[sflag:s23] =	ssyncset.done $0x0  }
0xaa: {  	s25 =	simm.s32 $0x1B8E;
	s24 =	sld [smem:$0x3FFE];
	[sflag:s23] =	ssyncadd.s32 $0xFFFFFFFF  }
0xab: {  	s26 =	simm.s32 $execute0_lowered;
	[smem:$0x3FD2] =	sst s25  }
0xac: {  	s5 =	sshll.u32 s26, $0x1;
	_ =	strace $0x80000046;
	[dreg:$0x1] =	wrdreg $0xFFFFFFFF  }
0xad: {  	s28 =	simm.s32 $_size_execute0_lowered;
	s3 =	sadd.s32 s3, s5;
	[dreg:$0x0] =	wrdreg $0x0  }
0xae: {  	s5 =	sshll.u32 s28, $0x1;
	[dreg:$0x2] =	wrdreg s3  }
0xaf: {  	[dreg:$0x3] =	wrdreg s5  }
0xb0: {  	[dreg:$0x4] =	wrdreg $0xC0  }
0xb1: {  	_ =	task [dreg:s7], $0x5FFFF  }
0xb2: {  	[dreg:$0x1] =	wrdreg $0xFFFFFFFF  }
0xb3: {  	[dreg:$0x0] =	wrdreg $0x60  }
0xb4: {  	[dreg:$0x2] =	wrdreg s24  }
0xb5: {  	[dreg:$0x3] =	wrdreg s16  }
0xb6: {  	[dreg:$0x4] =	wrdreg $0x3800  }
0xb7: {  	[dreg:$0x5] =	wrdreg $0x9  }
0xb8: {  	_ =	task.clear_ibuf [dreg:s7], $0x6FFFF;
	_ =	strace $0x90000046  }
0xb9: {  	s29 =	simm.s32 $0x9;
	_ =	strace $0x80000048  }
0xba: {  	_ =	swait.ge [sflag:s29], $0x1  }
0xbb: {  	[sflag:s29] =	ssyncadd.s32 $0xFFFFFFFF  }
0xbc: {  	_ =	strace $0x90000048  }
0xbd: {  	_ =	sfence  }
0xbe: {  	s30 =	sld [smem:$0x0];
	_ =	sdelay $0x2  }
0xbf: {  	s31 =	sshll.u32 s1, $0xD;
	s1 =	sshrl.u32 s1, $0x2  }
0xc0: {  	s3 =	sand.u32 $0x4000, s31;
	s1 =	sadd.s32 s1, s30  }
0xc1: {  	s0 =	sor.u32 s3, s0;
	s1 =	sshll.u32 s1, $0x11  }
0xc2: {  	s0 =	sor.u32 s1, s0  }
0xc3: {  	s0 =	sadd.s32 $0x8F2B, s0  }
0xc4: {  	[sflag:s0] =	ssyncadd.remote.s32 $0x1  }
0xc5: {  	_ =	sfence.sel $0xFFFF  }
0xc6: {  	[dreg:$0x0] =	wrdreg $0xFFFFFFFF;
	(pc) =	sbr.abs _section_cstart, $3  }
0xc7: {  	[dreg:$0x1] =	wrdreg $0xFFFFFFFF  }
0xc8: {  	_ =	task.clear_ibuf [dreg:s7], $0x2FFFF;
	_ =	strace $0x9FFFFFFF  }
0xc9: {  	(tm) =	ssettm $0x7FFFFFFF  }
tec
execute0_lowered:
.L_overlay_start_1:
0x0: {  	(tag) =	ssettag $0x1  }
0x1: {  	s5 =	rddreg [dreg:$0x0]  }
0x2: {  	s2 =	rddreg [dreg:$0x1]  }
0x3: {  	s0 =	srdreg.scid;
	s3 =	rddreg [dreg:$0x2]  }
0x4: {  	s1 =	rddreg [dreg:$0x3];
	s6 =	sand.u32 $0x1, s0  }
0x5: {  	s0 =	stileid.u32;
	s7 =	smul.u32 $0x27100, s6  }
0x6: {  	s4 =	simm.s32 $0x0;
	s12 =	simm.s32 $0x80;
	s8 =	smul.u32 $0x2710, s0  }
0x7: {  	s13 =	simm.s32 $0x50;
	s14 =	simm.s32 $0x0;
	s30 =	smul.u32 $0x270, s0  }
0x8: {  	[smem:$0x7FF] =	sst s4;
	s9 =	smul.u32 $0x2710, s6;
	s6 =	ssub.s32 $0x2, s6  }
0x9: {  	_ =	strace $0x80000047;
	s11 =	sshrl.u32 s6, $0x1;
	s7 =	sadd.s32 s8, s7  }
0xa: {  	s31 =	sshrl.u32 s30, $0x3;
	s9 =	sadd.s32 s30, s9;
	s11 =	ssub.s32 s6, s11  }
0xb: {  	s6 =	sadd.s32 s30, s3;
	s7 =	sshrl.u32 s7, $0x3;
	s9 =	sshrl.u32 s9, $0x3  }
0xc: {  	s8 =	smax.u32 s11, $0x1;
	s10 =	sadd.s32 s7, s5;
	s7 =	sadd.s32 s31, s5  }
0xd: {  	s11 =	simm.s32 $0x1;
	s9 =	sadd.s32 s9, s5;
	s5 =	sadd.s32 $0xEA00, s7  }
0xe: {  	s7 =	sadd.s32 $0xF000, s9;
	s9 =	sadd.s32 $0x4C00, s10;
	s10 =	simm.s32 $0x100  }
.LBB2_1:
0xf: {  	[tilespmem:s10], [sflag:$0x1] =	stream.linear.gather [hbm4b:s5+s4], $0x280, $0x38;
	[tilespmem:$0x5F8] =	vst v63  }
0x10: {  	_ =	swait.ge [sflag:s11], $0x280  }
0x11: {  	[sflag:s11] =	ssyncset.done $0x0  }
0x12: {  	[sflag:s11] =	ssyncadd.s32 $0xFFFFFD80  }
0x13: {  	[spmem:s6] =	stream.linear.scatter [tilespmem:s10], [sflag:$0x1], $0x280, $0x38;
	[tilespmem:$0x5F8] =	vst v63  }
0x14: {  	_ =	swait.ge [sflag:s11], $0x280  }
0x15: {  	[sflag:s11] =	ssyncset.done $0x0  }
0x16: {  	[sflag:s11] =	ssyncadd.s32 $0xFFFFFD80  }
0x17: {  	[tilespmem:s12], [sflag:$0x1] =	stream.linear.gather [hbm4b:s2+s4], $0x80, $0x38;
	[tilespmem:$0x5F8] =	vst v63  }
0x18: {  	_ =	swait.ge [sflag:s11], $0x80  }
0x19: {  	[sflag:s11] =	ssyncset.done $0x0  }
0x1a: {  	[sflag:s11] =	ssyncadd.s32 $0xFFFFFF80  }
0x1b: {  	s15 =	sadd.s32 $0x0, s9;
	[bflag:$0x0] =	sbarrier.arrive $0xFFFF  }
0x1c: {  	[tilespmem:s4], [sflag:$0x1] =	stream.linear.gather [hbm4b:s15+s4], $0x50, $0x38;
	[tilespmem:$0x5F8] =	vst v63  }
0x1d: {  	_ =	swait.ge [sflag:s11], $0x50  }
0x1e: {  	[sflag:s11] =	ssyncset.done $0x0  }
0x1f: {  	[sflag:s11] =	ssyncadd.s32 $0xFFFFFFB0  }
0x20: {  	[spmem:s3] =	stream.indirect.scatter.add.f32 [tilespmem:s12], [sflag:$0x1], $0x1, s4, s13, $0xb8;
	[tilespmem:$0x5F8] =	vst v63  }
0x21: {  	_ =	swait.ge [sflag:s11], $0x50  }
0x22: {  	s16 =	simm.s32 $0x14;
	s15 =	simm.s32 $0xA;
	[sflag:s11] =	ssyncset.done $0x0  }
.LBB2_2:
0x23: {  	s17 =	sadd.s32 s15, s9  }
0x24: {  	[sflag:s11] =	ssyncadd.s32 $0xFFFFFFB0;
	s15 =	smov.u32 s16;
	s18 =	sadd.s32 $0xA, s16  }
0x25: {  	[tilespmem:s4], [sflag:$0x1] =	stream.linear.gather [hbm4b:s17+s4], $0x50, $0x38;
	[tilespmem:$0x5F8] =	vst v63  }
0x26: {  	p0 =	sne.s32 s16, $0x4D8;
	_ =	swait.ge [sflag:s11], $0x50  }
.Ltmp0:
0x27: {  	[sflag:s11] =	ssyncset.done $0x0;
	(pc) =	sbr.rel @p0 .LBB2_2-.Ltmp0, $4  }
0x28: {  	[sflag:s11] =	ssyncadd.s32 $0xFFFFFFB0  }
0x29: {  	[spmem:s3] =	stream.indirect.scatter.add.f32 [tilespmem:s12], [sflag:$0x1], $0x1, s4, s13, $0xb8;
	[tilespmem:$0x5F8] =	vst v63  }
0x2a: {  	_ =	swait.ge [sflag:s11], $0x50  }
0x2b: {  	s16 =	smov.u32 s18;
	[sflag:s11] =	ssyncset.done $0x0  }
0x2c: {  	s15 =	sadd.s32 s15, s9;
	[sflag:s11] =	ssyncadd.s32 $0xFFFFFFB0  }
0x2d: {  	[tilespmem:s4], [sflag:$0x1] =	stream.linear.gather [hbm4b:s15+s4], $0x50, $0x38;
	[tilespmem:$0x5F8] =	vst v63  }
0x2e: {  	_ =	swait.ge [sflag:s11], $0x50  }
0x2f: {  	[sflag:s11] =	ssyncset.done $0x0  }
0x30: {  	[sflag:s11] =	ssyncadd.s32 $0xFFFFFFB0  }
0x31: {  	[spmem:s3] =	stream.indirect.scatter.add.f32 [tilespmem:s12], [sflag:$0x1], $0x1, s4, s13, $0xb8;
	[tilespmem:$0x5F8] =	vst v63  }
0x32: {  	_ =	swait.ge [sflag:s11], $0x50  }
0x33: {  	[sflag:s11] =	ssyncset.done $0x0  }
0x34: {  	[sflag:s11] =	ssyncadd.s32 $0xFFFFFFB0  }
0x35: {  	[bflag:$0x0] =	sbarrier.arrive $0xFFFF  }
0x36: {  	[tilespmem:s10], [sflag:$0x1] =	stream.linear.gather [spmem:s6], $0x280, $0x38;
	[tilespmem:$0x5F8] =	vst v63  }
0x37: {  	s14 =	sadd.s32 $0x1, s14;
	_ =	swait.ge [sflag:s11], $0x280  }
0x38: {  	p0 =	sne.s32 s14, s8;
	[sflag:s11] =	ssyncset.done $0x0  }
.Ltmp1:
0x39: {  	[sflag:s11] =	ssyncadd.s32 $0xFFFFFD80;
	(pc) =	sbr.rel @p0 .LBB2_1-.Ltmp1, $4  }
0x3a: {  	[hbm4b:s7+s4] =	stream.linear.scatter [tilespmem:s10], [sflag:$0x1], $0x280, $0x38;
	[tilespmem:$0x5F8] =	vst v63  }
0x3b: {  	_ =	swait.ge [sflag:s11], $0x280  }
0x3c: {  	[sflag:s11] =	ssyncset.done $0x0  }
0x3d: {  	[sflag:s11] =	ssyncadd.s32 $0xFFFFFD80  }
0x3e: {  	_ =	sfence.sel $0x180000  }
0x3f: {  	[bflag:$0x0] =	sbarrier.arrive $0xFFFF  }
0x40: {  	p0 =	sne.s32 s0, $0x0;
	_ =	strace $0x90000047  }
0x41: {  	s0 =	sadd.s32 @!p0 $0x100000, s1;
	[bflag:$0x2] =	sbarrier.arrive $0xFFFF  }
0x42: {  	[sflag:s0] =	ssyncadd.tile.s32 @!p0 $0x1;
	_ =	shalt  }
.Lfunc_end2:
_tile_overlayer_lowered:
.L_overlay_start_2:
0x43: {  	(tag) =	ssettag $0x2  }
0x44: {  	s0 =	rddreg [dreg:$0x0];
	s2 =	stileid.u32  }
0x45: {  	s1 =	rddreg [dreg:$0x1];
	p0 =	sne.s32 s2, $0x0  }
0x46: {  	s3 =	rddreg [dreg:$0x2];
	[bflag:$0x3] =	sbarrier.arrive $0xFFFF;
	s2 =	simm.s32 @!p0 $0x1C01  }
0x47: {  	[timem:s3], [sflag:s2] =	dma.local @!p0 [hbm:s0], s1  }
0x48: {  	s0 =	simm.s32 @!p0 $0x1  }
0x49: {  	_ =	swait.ge @!p0 [sflag:s0], s1  }
0x4a: {  	s1 =	ssub.s32 @!p0 $0x0, s1;
	[sflag:s0] =	ssyncset.done @!p0 $0x0  }
0x4b: {  	[sflag:s0] =	ssyncadd.s32 @!p0 s1  }
0x4c: {  	[bflag:$0x3] =	sbarrier.arrive $0xFFFF  }
0x4d: {  	_ =	shalt  }

// kernel: kernel.16.cloned.1.call-start
scs
__scs_entry_jumppad:
0x0: {  	(pc) =	sbr.rel $0x88, $3  }
0x1: {  	(tag) =	ssettag $0x0;
	lr =	simm.s32 $0x1  }
0x2: {  	[smem:$0x3F91] =	sst lr;
	_ =	strace $0xD0000000  }
0x3: {  	_ = 	snop  }
0x4: {  	_ = 	snop  }
0x5: {  	_ = 	snop  }
0x6: {  	_ = 	snop  }
0x7: {  	_ = 	snop  }
__scs_overlays_trampoline_lowered:
0x8: {  	[smem:$0x3FA0] =	sst s0  }
0x9: {  	[smem:$0x3FA1] =	sst s1  }
0xa: {  	[smem:$0x3FA2] =	sst s2  }
0xb: {  	[smem:$0x3FA3] =	sst s3  }
0xc: {  	[smem:$0x3FA4] =	sst s4  }
0xd: {  	[smem:$0x3FA5] =	sst s5  }
0xe: {  	[smem:$0x3FA6] =	sst s6  }
0xf: {  	[smem:$0x3FA7] =	sst s7  }
0x10: {  	[smem:$0x3FA8] =	sst s8  }
0x11: {  	[smem:$0x3FA9] =	sst s9;
	s0 =	simm.s32 @!p0 $0x0  }
0x12: {  	s1 =	sld [smem:$0x3F8F];
	s0 =	simm.s32 @p0 $0x1  }
0x13: {  	[smem:$0x3FAA] =	sst s0;
	s0 =	simm.s32 @!p1 $0x0  }
0x14: {  	s2 =	sld [smem:$0x3F8E];
	s0 =	simm.s32 @p1 $0x1  }
0x15: {  	[smem:$0x3FAB] =	sst s0;
	s0 =	simm.s32 @!p2 $0x0  }
0x16: {  	s3 =	sld [smem:$0x3FDB];
	s0 =	simm.s32 @p2 $0x1  }
0x17: {  	s4 =	simm.s32 $0x1BF5;
	[smem:$0x3FAD] =	sst s0  }
0x18: {  	s0 =	sld [smem:$0x3F90];
	_ =	swait.ge [sflag:s4], $0x0  }
0x19: {  	s7 =	sld [smem:$0x3F91]  }
0x1a: {  	s8 =	sadd.s32 $0xFFFFE003, lr  }
0x1b: {  	s9 =	sadd.s32 $0xFFFFFEF7, lr;
	s5 =	simm.s32 $0xFFFFFFFF;
	p2 =	slt.u32 s8, $0xFFFFF086  }
0x1c: {  	p1 =	slt.u32 s9, $0xF7A;
	s5 =	simm.s32 @!p2 $0x0  }
0x1d: {  	s5 =	simm.s32 @p1 $0x1;
	p0 =	seq.s32 s7, s2  }
0x1e: {  	s7 =	smul.u32 @!p0 $0xF7A, s2;
	p2 =	seq.s32 @!p0 s5, $0x0  }
0x1f: {  	s9 =	smul.u32 $0xF7A, s1;
	s8 =	simm.s32 @!p0 $0x1BF5;
	p2 =	por !p2, p0  }
0x20: {  	[sflag:s8] =	ssyncset.s32 @!p0 $0xFFFFF086;
	s6 =	sadd.s32 @!p0 s3, s7;
	s7 =	simm.s32 @!p0 $0x108  }
0x21: {  	s3 =	sadd.s32 s3, s9;
	s6 =	sadd.s32 @!p0 $0x88, s6;
	s7 =	simm.s32 @p2 $0x1082  }
0x22: {  	[simem:s7], [sflag:s8] =	dma.local @!p0 [hbm:s6], $0xF7A  }
0x23: {  	s9 =	sor.u32 $0xD0000000, s2;
	s6 =	simm.s32 $0x108;
	_ =	swait.ge @!p0 [sflag:s8], $0x0  }
0x24: {  	s3 =	sadd.s32 $0x88, s3;
	s6 =	simm.s32 @!p1 $0x1082;
	[sflag:s4] =	ssyncset.s32 $0xFFFFF086  }
0x25: {  	[simem:s6], [sflag:s4] =	dma.local [hbm:s3], $0xF7A  }
0x26: {  	[smem:$0x3F91] =	sst s1;
	(tag) =	ssettag s2;
	_ =	strace s9  }
0x27: {  	s1 =	sld [smem:$0x3FA1]  }
0x28: {  	s2 =	sld [smem:$0x3FA2]  }
0x29: {  	s4 =	sld [smem:$0x3FA4]  }
0x2a: {  	p0 =	seq.s32 s5, $0x0;
	s5 =	sld [smem:$0x3FA5]  }
0x2b: {  	s6 =	sld [smem:$0x3FA6]  }
0x2c: {  	s7 =	sld [smem:$0x3FA7]  }
0x2d: {  	s3 =	simm.s32 $0x108;
	s8 =	sld [smem:$0x3FA8]  }
0x2e: {  	s3 =	simm.s32 @!p0 $0x1082;
	s9 =	sld [smem:$0x3FA9]  }
0x2f: {  	lr =	sadd.s32 s0, s3;
	s0 =	sld [smem:$0x3FA0]  }
0x30: {  	s3 =	sld [smem:$0x3FA3]  }
0x31: {  	[smem:$0x3FAC] =	sst s10  }
0x32: {  	s10 =	sld [smem:$0x3FAA];
	_ =	sdelay $0x3  }
0x33: {  	p0 =	seq.s32 s10, $0x1;
	s10 =	sld [smem:$0x3FAC];
	_ =	sdelay $0x3  }
0x34: {  	[smem:$0x3FAC] =	sst s10  }
0x35: {  	s10 =	sld [smem:$0x3FAB];
	_ =	sdelay $0x3  }
0x36: {  	p1 =	seq.s32 s10, $0x1;
	s10 =	sld [smem:$0x3FAC];
	_ =	sdelay $0x3  }
0x37: {  	[smem:$0x3FAC] =	sst s10  }
0x38: {  	s10 =	sld [smem:$0x3FAD]  }
0x39: {  	_ = 	snop;
	(pc) =	sbr.ind lr, $3  }
0x3a: {  	_ = 	snop  }
0x3b: {  	_ = 	snop  }
0x3c: {  	p2 =	seq.s32 s10, $0x1;
	s10 =	sld [smem:$0x3FAC]  }
0x3d: {  	_ =	shalt  }
0x3e: {  	_ =	shalt  }
0x3f: {  	_ =	shalt  }
0x40: {  	_ =	shalt  }
0x41: {  	_ =	shalt  }
0x42: {  	_ =	shalt  }
0x43: {  	_ =	shalt  }
0x44: {  	_ =	shalt  }
0x45: {  	_ =	shalt  }
0x46: {  	_ =	shalt  }
0x47: {  	_ =	shalt  }
0x48: {  	_ =	shalt  }
0x49: {  	_ =	shalt  }
0x4a: {  	_ =	shalt  }
0x4b: {  	_ =	shalt  }
0x4c: {  	_ =	shalt  }
0x4d: {  	_ =	shalt  }
0x4e: {  	_ =	shalt  }
0x4f: {  	_ =	shalt  }
0x50: {  	_ =	shalt  }
0x51: {  	_ =	shalt  }
0x52: {  	_ =	shalt  }
0x53: {  	_ =	shalt  }
0x54: {  	_ =	shalt  }
0x55: {  	_ =	shalt  }
0x56: {  	_ =	shalt  }
0x57: {  	_ =	shalt  }
0x58: {  	_ =	shalt  }
0x59: {  	_ =	shalt  }
0x5a: {  	_ =	shalt  }
0x5b: {  	_ =	shalt  }
0x5c: {  	_ =	shalt  }
0x5d: {  	_ =	shalt  }
0x5e: {  	_ =	shalt  }
0x5f: {  	_ =	shalt  }
0x60: {  	_ =	shalt  }
0x61: {  	_ =	shalt  }
0x62: {  	_ =	shalt  }
0x63: {  	_ =	shalt  }
0x64: {  	_ =	shalt  }
0x65: {  	_ =	shalt  }
0x66: {  	_ =	shalt  }
0x67: {  	_ =	shalt  }
0x68: {  	_ =	shalt  }
0x69: {  	_ =	shalt  }
0x6a: {  	_ =	shalt  }
0x6b: {  	_ =	shalt  }
0x6c: {  	_ =	shalt  }
0x6d: {  	_ =	shalt  }
0x6e: {  	_ =	shalt  }
0x6f: {  	_ =	shalt  }
0x70: {  	_ =	shalt  }
0x71: {  	_ =	shalt  }
0x72: {  	_ =	shalt  }
0x73: {  	_ =	shalt  }
0x74: {  	_ =	shalt  }
0x75: {  	_ =	shalt  }
0x76: {  	_ =	shalt  }
0x77: {  	_ =	shalt  }
0x78: {  	_ =	shalt  }
0x79: {  	_ =	shalt  }
0x7a: {  	_ =	shalt  }
0x7b: {  	_ =	shalt  }
0x7c: {  	_ =	shalt  }
0x7d: {  	_ =	shalt  }
0x7e: {  	_ =	shalt  }
0x7f: {  	_ =	shalt  }
0x80: {  	_ =	shalt  }
0x81: {  	_ =	shalt  }
0x82: {  	_ =	shalt  }
0x83: {  	_ =	shalt  }
0x84: {  	_ =	shalt  }
0x85: {  	_ =	shalt  }
0x86: {  	_ =	shalt  }
0x87: {  	_ =	shalt  }
.Lfunc_end0:
.L_simem_size_0:
called_computation.1_lowered:
.L_overlay_start_0:
0x88: {  	s2 =	sld [smem:$0x3FD9]  }
0x89: {  	s3 =	sld [smem:$0x3FFE];
	_ =	sdelay $0x1  }
0x8a: {  	s1 =	srdreg.scid  }
0x8b: {  	s0 =	sand.u32 $0x1, s1  }
0x8c: {  	s16 =	sshll.u32 s0, $0xA;
	s2 =	sadd.s32 s3, s2  }
0x8d: {  	s2 =	sadd.s32 s2, s16  }
0x8e: {  	[smem:$0x3FB8] =	sst s2  }
0x8f: {  	_ = 	snop  }
0x90: {  	(tm) =	ssettm $0x1  }
0x91: {  	s17 =	sld [smem:$0x3FFB];
	_ =	sdelay $0x3  }
0x92: {  	_ =	strace s17  }
0x93: {  	s2 =	sld [smem:$0x3FFC];
	_ =	sdelay $0x3  }
0x94: {  	_ =	strace s2  }
0x95: {  	s2 =	sld [smem:$0x3FFD];
	_ =	sdelay $0x3  }
0x96: {  	_ =	strace s2  }
0x97: {  	_ =	strace $0x8FFFFFFF  }
0x98: {  	s18 =	sld [smem:$0x3FDB];
	_ =	sdelay $0x1  }
0x99: {  	s19 =	simm.s32 $_scs_section_size  }
0x9a: {  	s4 =	simm.s32 $_size__tile_overlayer_lowered;
	s5 =	simm.s32 $_tile_overlayer_lowered  }
0x9b: {  	s22 =	simm.s32 $0x1BFF;
	s21 =	sshll.u32 s5, $0x1;
	s2 =	sadd.s32 s19, s18  }
0x9c: {  	s6 =	simm.s32 $0x0;
	s20 =	sshll.u32 s4, $0x1;
	s4 =	sadd.s32 s21, s2  }
0x9d: {  	[timem:s6], [sflag:s22] =	dma.local [hbm:s4], s20  }
0x9e: {  	_ =	swait.ge [sflag:s22], s20  }
0x9f: {  	s3 =	ssub.s32 $0x0, s20;
	[sflag:s22] =	ssyncset.done $0x0  }
0xa0: {  	[sflag:s22] =	ssyncadd.s32 s3;
	_ =	sdelay $0x1  }
0xa1: {  	s23 =	simm.s32 $0x1B8B  }
0xa2: {  	_ =	swait.ge [sflag:s23], $0x1  }
0xa3: {  	[sflag:s23] =	ssyncset.done $0x0  }
0xa4: {  	s25 =	simm.s32 $0x1B8E;
	s24 =	sld [smem:$0x3FFE];
	[sflag:s23] =	ssyncadd.s32 $0xFFFFFFFF  }
0xa5: {  	s26 =	simm.s32 $execute0_lowered;
	[smem:$0x3FD2] =	sst s25  }
0xa6: {  	s4 =	sshll.u32 s26, $0x1;
	_ =	strace $0x80000049;
	[dreg:$0x1] =	wrdreg $0xFFFFFFFF  }
0xa7: {  	s28 =	simm.s32 $_size_execute0_lowered;
	s2 =	sadd.s32 s2, s4;
	[dreg:$0x0] =	wrdreg $0x0  }
0xa8: {  	s4 =	sshll.u32 s28, $0x1;
	[dreg:$0x2] =	wrdreg s2  }
0xa9: {  	[dreg:$0x3] =	wrdreg s4  }
0xaa: {  	[dreg:$0x4] =	wrdreg $0xC0  }
0xab: {  	_ =	task [dreg:s6], $0x5FFFF  }
0xac: {  	[dreg:$0x1] =	wrdreg $0xFFFFFFFF  }
0xad: {  	[dreg:$0x0] =	wrdreg $0x60  }
0xae: {  	[dreg:$0x2] =	wrdreg s24  }
0xaf: {  	[dreg:$0x3] =	wrdreg $0x2C000  }
0xb0: {  	[dreg:$0x4] =	wrdreg $0x9  }
0xb1: {  	_ =	task.clear_ibuf [dreg:s6], $0x5FFFF;
	_ =	strace $0x90000049  }
0xb2: {  	s29 =	simm.s32 $0x9;
	_ =	strace $0x8000004B  }
0xb3: {  	_ =	swait.ge [sflag:s29], $0x1  }
0xb4: {  	[sflag:s29] =	ssyncadd.s32 $0xFFFFFFFF  }
0xb5: {  	_ =	strace $0x9000004B  }
0xb6: {  	_ =	sfence  }
0xb7: {  	s30 =	sld [smem:$0x0];
	_ =	sdelay $0x2  }
0xb8: {  	s31 =	sshll.u32 s1, $0xD;
	s1 =	sshrl.u32 s1, $0x2  }
0xb9: {  	s3 =	sand.u32 $0x4000, s31;
	s1 =	sadd.s32 s1, s30  }
0xba: {  	s0 =	sor.u32 s3, s0;
	s1 =	sshll.u32 s1, $0x11  }
0xbb: {  	s0 =	sor.u32 s1, s0  }
0xbc: {  	s0 =	sadd.s32 $0x8F2B, s0  }
0xbd: {  	[sflag:s0] =	ssyncadd.remote.s32 $0x1  }
0xbe: {  	_ =	sfence.sel $0xFFFF  }
0xbf: {  	[dreg:$0x0] =	wrdreg $0xFFFFFFFF;
	(pc) =	sbr.abs _section_cstart, $3  }
0xc0: {  	[dreg:$0x1] =	wrdreg $0xFFFFFFFF  }
0xc1: {  	_ =	task.clear_ibuf [dreg:s6], $0x2FFFF;
	_ =	strace $0x9FFFFFFF  }
0xc2: {  	(tm) =	ssettm $0x7FFFFFFF  }
0xc3: {  	_ =	shalt  }
tec
execute0_lowered:
.L_overlay_start_1:
0x0: {  	(tag) =	ssettag $0x1  }
0x1: {  	s5 =	rddreg [dreg:$0x0];
	s0 =	srdreg.scid  }
0x2: {  	s2 =	rddreg [dreg:$0x1];
	s1 =	stileid.u32;
	s3 =	simm.s32 $0x0  }
0x3: {  	s13 =	simm.s32 $0x400;
	s14 =	simm.s32 $0x1;
	s8 =	smul.u32 $0x2700, s1  }
0x4: {  	s15 =	simm.s32 $0x80;
	s16 =	simm.s32 $0x0;
	s26 =	smul.u32 $0x4E000, s1  }
0x5: {  	s6 =	sand.u32 $0x1, s0;
	s0 =	rddreg [dreg:$0x2];
	s30 =	smul.u32 $0x3E80, s1  }
0x6: {  	[smem:$0x7FF] =	sst s3;
	s4 =	sadd.s32 $0x8CA00, s5;
	s7 =	smul.u32 $0x3E800, s6  }
0x7: {  	s31 =	sshll.u32 s1, $0x6;
	s9 =	smul.u32 $0x27100, s6;
	s6 =	ssub.s32 $0x2, s6  }
0x8: {  	_ =	strace $0x8000004A;
	s28 =	sshrl.u32 s6, $0x1;
	s29 =	sshrl.u32 s26, $0x2  }
0x9: {  	s10 =	sadd.s32 s7, s5;
	s25 =	sadd.s32 s8, s9;
	s8 =	sadd.s32 s8, s5  }
0xa: {  	s11 =	ssub.s32 s6, s28;
	s12 =	sadd.s32 s29, s2;
	s6 =	sor.u32 $0x1C02, s31  }
0xb: {  	s7 =	sadd.s32 s25, s5;
	s5 =	sadd.s32 $0xDAE00, s8;
	s9 =	sadd.s32 s30, s10  }
0xc: {  	s8 =	smax.u32 s11, $0x1;
	s10 =	sshrl.u32 s12, $0x3;
	s11 =	simm.s32 $0x2  }
0xd: {  	s12 =	simm.s32 $0x50;
	s7 =	sadd.s32 $0x102000, s7;
	s9 =	sadd.s32 $0xFA00, s9  }
.LBB2_1:
0xe: {  	[spmem:s10], [sflag:s6] =	dma.local [hbm:s5], $0x2800  }
0xf: {  	_ =	swait.ge [sflag:s11], $0x2800  }
0x10: {  	[sflag:s11] =	ssyncset.done $0x0  }
0x11: {  	[sflag:s11] =	ssyncadd.s32 $0xFFFFD800  }
0x12: {  	s17 =	sadd.s32 $0x0, s9;
	[bflag:$0x0] =	sbarrier.arrive $0xFFFF  }
0x13: {  	[tilespmem:s3], [sflag:$0x2] =	stream.linear.gather [hbm4b:s17+s3], $0x400, $0x38;
	[tilespmem:$0x1A480] =	vst v63  }
0x14: {  	_ =	swait.ge [sflag:s11], $0x400  }
0x15: {  	[sflag:s11] =	ssyncset.done $0x0  }
0x16: {  	[sflag:s11] =	ssyncadd.s32 $0xFFFFFC00  }
0x17: {  	[tilespmem:s13], [sflag:$0x1] =	stream.indirect.gather [hbm4b:s4+s12], $0x80, s3, s12, $0xb8;
	[tilespmem:$0x1A480] =	vst v63  }
0x18: {  	_ =	swait.ge [sflag:s14], $0x2800  }
0x19: {  	[sflag:s14] =	ssyncset.done $0x0  }
0x1a: {  	[sflag:s14] =	ssyncadd.s32 $0xFFFFD800  }
0x1b: {  	[spmem:s2] =	stream.indirect.scatter.add.f32 [tilespmem:s13], [sflag:$0x2], $0x80, s15, s12, $0xb8;
	[tilespmem:$0x1A480] =	vst v63  }
0x1c: {  	_ =	swait.ge [sflag:s11], $0x2800  }
0x1d: {  	s18 =	simm.s32 $0x100;
	s17 =	simm.s32 $0x80;
	[sflag:s11] =	ssyncset.done $0x0  }
.LBB2_2:
0x1e: {  	s19 =	sadd.s32 s17, s9  }
0x1f: {  	[sflag:s11] =	ssyncadd.s32 $0xFFFFD800;
	s17 =	smov.u32 s18;
	s20 =	sadd.s32 $0x80, s18  }
0x20: {  	[tilespmem:s3], [sflag:$0x2] =	stream.linear.gather [hbm4b:s19+s3], $0x400, $0x38;
	[tilespmem:$0x1A480] =	vst v63  }
0x21: {  	p0 =	sne.s32 s18, $0x3E00;
	_ =	swait.ge [sflag:s11], $0x400  }
0x22: {  	[sflag:s11] =	ssyncset.done $0x0  }
0x23: {  	[sflag:s11] =	ssyncadd.s32 $0xFFFFFC00  }
0x24: {  	[tilespmem:s13], [sflag:$0x1] =	stream.indirect.gather [hbm4b:s4+s12], $0x80, s3, s12, $0xb8;
	[tilespmem:$0x1A480] =	vst v63  }
0x25: {  	_ =	swait.ge [sflag:s14], $0x2800  }
.Ltmp0:
0x26: {  	[sflag:s14] =	ssyncset.done $0x0;
	(pc) =	sbr.rel @p0 .LBB2_2-.Ltmp0, $4  }
0x27: {  	[sflag:s14] =	ssyncadd.s32 $0xFFFFD800  }
0x28: {  	[spmem:s2] =	stream.indirect.scatter.add.f32 [tilespmem:s13], [sflag:$0x2], $0x80, s15, s12, $0xb8;
	[tilespmem:$0x1A480] =	vst v63  }
0x29: {  	_ =	swait.ge [sflag:s11], $0x2800  }
0x2a: {  	s18 =	smov.u32 s20;
	[sflag:s11] =	ssyncset.done $0x0  }
0x2b: {  	s17 =	sadd.s32 s17, s9;
	[sflag:s11] =	ssyncadd.s32 $0xFFFFD800  }
0x2c: {  	[tilespmem:s3], [sflag:$0x2] =	stream.linear.gather [hbm4b:s17+s3], $0x400, $0x38;
	[tilespmem:$0x1A480] =	vst v63  }
0x2d: {  	_ =	swait.ge [sflag:s11], $0x400  }
0x2e: {  	[sflag:s11] =	ssyncset.done $0x0  }
0x2f: {  	[sflag:s11] =	ssyncadd.s32 $0xFFFFFC00  }
0x30: {  	[tilespmem:s13], [sflag:$0x1] =	stream.indirect.gather [hbm4b:s4+s12], $0x80, s3, s12, $0xb8;
	[tilespmem:$0x1A480] =	vst v63  }
0x31: {  	_ =	swait.ge [sflag:s14], $0x2800  }
0x32: {  	[sflag:s14] =	ssyncset.done $0x0  }
0x33: {  	[sflag:s14] =	ssyncadd.s32 $0xFFFFD800  }
0x34: {  	[spmem:s2] =	stream.indirect.scatter.add.f32 [tilespmem:s13], [sflag:$0x2], $0x80, s15, s12, $0xb8;
	[tilespmem:$0x1A480] =	vst v63  }
0x35: {  	_ =	swait.ge [sflag:s11], $0x2800  }
0x36: {  	s16 =	sadd.s32 $0x1, s16;
	[sflag:s11] =	ssyncset.done $0x0  }
0x37: {  	p0 =	sne.s32 s16, s8;
	[sflag:s11] =	ssyncadd.s32 $0xFFFFD800  }
.Ltmp1:
0x38: {  	[bflag:$0x0] =	sbarrier.arrive $0xFFFF;
	(pc) =	sbr.rel @p0 .LBB2_1-.Ltmp1, $4  }
0x39: {  	[hbm:s7], [sflag:s6] =	dma.local [spmem:s10], $0x2800  }
0x3a: {  	_ =	swait.ge [sflag:s11], $0x2800  }
0x3b: {  	[sflag:s11] =	ssyncset.done $0x0  }
0x3c: {  	[sflag:s11] =	ssyncadd.s32 $0xFFFFD800  }
0x3d: {  	_ =	sfence.sel $0x180000  }
0x3e: {  	[bflag:$0x0] =	sbarrier.arrive $0xFFFF  }
0x3f: {  	p0 =	sne.s32 s1, $0x0;
	_ =	strace $0x9000004A  }
0x40: {  	s0 =	sadd.s32 @!p0 $0x100000, s0;
	[bflag:$0x2] =	sbarrier.arrive $0xFFFF  }
0x41: {  	[sflag:s0] =	ssyncadd.tile.s32 @!p0 $0x1;
	_ =	shalt  }
.Lfunc_end2:
_tile_overlayer_lowered:
.L_overlay_start_2:
0x42: {  	(tag) =	ssettag $0x2  }
0x43: {  	s0 =	rddreg [dreg:$0x0];
	s2 =	stileid.u32  }
0x44: {  	s1 =	rddreg [dreg:$0x1];
	p0 =	sne.s32 s2, $0x0  }
0x45: {  	s3 =	rddreg [dreg:$0x2];
	[bflag:$0x3] =	sbarrier.arrive $0xFFFF;
	s2 =	simm.s32 @!p0 $0x1C02  }
0x46: {  	[timem:s3], [sflag:s2] =	dma.local @!p0 [hbm:s0], s1  }
0x47: {  	s0 =	simm.s32 @!p0 $0x2  }
0x48: {  	_ =	swait.ge @!p0 [sflag:s0], s1  }
0x49: {  	s1 =	ssub.s32 @!p0 $0x0, s1;
	[sflag:s0] =	ssyncset.done @!p0 $0x0  }
0x4a: {  	[sflag:s0] =	ssyncadd.s32 @!p0 s1  }
0x4b: {  	[bflag:$0x3] =	sbarrier.arrive $0xFFFF  }
0x4c: {  	_ =	shalt  }

// kernel: kernel.19.cloned.1.call-start
scs
__scs_entry_jumppad:
0x0: {  	(pc) =	sbr.rel $0x88, $3  }
0x1: {  	(tag) =	ssettag $0x0;
	lr =	simm.s32 $0x1  }
0x2: {  	[smem:$0x3F91] =	sst lr;
	_ =	strace $0xD0000000  }
0x3: {  	_ = 	snop  }
0x4: {  	_ = 	snop  }
0x5: {  	_ = 	snop  }
0x6: {  	_ = 	snop  }
0x7: {  	_ = 	snop  }
__scs_overlays_trampoline_lowered:
0x8: {  	[smem:$0x3FA0] =	sst s0  }
0x9: {  	[smem:$0x3FA1] =	sst s1  }
0xa: {  	[smem:$0x3FA2] =	sst s2  }
0xb: {  	[smem:$0x3FA3] =	sst s3  }
0xc: {  	[smem:$0x3FA4] =	sst s4  }
0xd: {  	[smem:$0x3FA5] =	sst s5  }
0xe: {  	[smem:$0x3FA6] =	sst s6  }
0xf: {  	[smem:$0x3FA7] =	sst s7  }
0x10: {  	[smem:$0x3FA8] =	sst s8  }
0x11: {  	[smem:$0x3FA9] =	sst s9;
	s0 =	simm.s32 @!p0 $0x0  }
0x12: {  	s1 =	sld [smem:$0x3F8F];
	s0 =	simm.s32 @p0 $0x1  }
0x13: {  	[smem:$0x3FAA] =	sst s0;
	s0 =	simm.s32 @!p1 $0x0  }
0x14: {  	s2 =	sld [smem:$0x3F8E];
	s0 =	simm.s32 @p1 $0x1  }
0x15: {  	[smem:$0x3FAB] =	sst s0;
	s0 =	simm.s32 @!p2 $0x0  }
0x16: {  	s3 =	sld [smem:$0x3FDB];
	s0 =	simm.s32 @p2 $0x1  }
0x17: {  	s4 =	simm.s32 $0x1BF5;
	[smem:$0x3FAD] =	sst s0  }
0x18: {  	s0 =	sld [smem:$0x3F90];
	_ =	swait.ge [sflag:s4], $0x0  }
0x19: {  	s7 =	sld [smem:$0x3F91]  }
0x1a: {  	s8 =	sadd.s32 $0xFFFFE003, lr  }
0x1b: {  	s9 =	sadd.s32 $0xFFFFFEF7, lr;
	s5 =	simm.s32 $0xFFFFFFFF;
	p2 =	slt.u32 s8, $0xFFFFF086  }
0x1c: {  	p1 =	slt.u32 s9, $0xF7A;
	s5 =	simm.s32 @!p2 $0x0  }
0x1d: {  	s5 =	simm.s32 @p1 $0x1;
	p0 =	seq.s32 s7, s2  }
0x1e: {  	s7 =	smul.u32 @!p0 $0xF7A, s2;
	p2 =	seq.s32 @!p0 s5, $0x0  }
0x1f: {  	s9 =	smul.u32 $0xF7A, s1;
	s8 =	simm.s32 @!p0 $0x1BF5;
	p2 =	por !p2, p0  }
0x20: {  	[sflag:s8] =	ssyncset.s32 @!p0 $0xFFFFF086;
	s6 =	sadd.s32 @!p0 s3, s7;
	s7 =	simm.s32 @!p0 $0x108  }
0x21: {  	s3 =	sadd.s32 s3, s9;
	s6 =	sadd.s32 @!p0 $0x88, s6;
	s7 =	simm.s32 @p2 $0x1082  }
0x22: {  	[simem:s7], [sflag:s8] =	dma.local @!p0 [hbm:s6], $0xF7A  }
0x23: {  	s9 =	sor.u32 $0xD0000000, s2;
	s6 =	simm.s32 $0x108;
	_ =	swait.ge @!p0 [sflag:s8], $0x0  }
0x24: {  	s3 =	sadd.s32 $0x88, s3;
	s6 =	simm.s32 @!p1 $0x1082;
	[sflag:s4] =	ssyncset.s32 $0xFFFFF086  }
0x25: {  	[simem:s6], [sflag:s4] =	dma.local [hbm:s3], $0xF7A  }
0x26: {  	[smem:$0x3F91] =	sst s1;
	(tag) =	ssettag s2;
	_ =	strace s9  }
0x27: {  	s1 =	sld [smem:$0x3FA1]  }
0x28: {  	s2 =	sld [smem:$0x3FA2]  }
0x29: {  	s4 =	sld [smem:$0x3FA4]  }
0x2a: {  	p0 =	seq.s32 s5, $0x0;
	s5 =	sld [smem:$0x3FA5]  }
0x2b: {  	s6 =	sld [smem:$0x3FA6]  }
0x2c: {  	s7 =	sld [smem:$0x3FA7]  }
0x2d: {  	s3 =	simm.s32 $0x108;
	s8 =	sld [smem:$0x3FA8]  }
0x2e: {  	s3 =	simm.s32 @!p0 $0x1082;
	s9 =	sld [smem:$0x3FA9]  }
0x2f: {  	lr =	sadd.s32 s0, s3;
	s0 =	sld [smem:$0x3FA0]  }
0x30: {  	s3 =	sld [smem:$0x3FA3]  }
0x31: {  	[smem:$0x3FAC] =	sst s10  }
0x32: {  	s10 =	sld [smem:$0x3FAA];
	_ =	sdelay $0x3  }
0x33: {  	p0 =	seq.s32 s10, $0x1;
	s10 =	sld [smem:$0x3FAC];
	_ =	sdelay $0x3  }
0x34: {  	[smem:$0x3FAC] =	sst s10  }
0x35: {  	s10 =	sld [smem:$0x3FAB];
	_ =	sdelay $0x3  }
0x36: {  	p1 =	seq.s32 s10, $0x1;
	s10 =	sld [smem:$0x3FAC];
	_ =	sdelay $0x3  }
0x37: {  	[smem:$0x3FAC] =	sst s10  }
0x38: {  	s10 =	sld [smem:$0x3FAD]  }
0x39: {  	_ = 	snop;
	(pc) =	sbr.ind lr, $3  }
0x3a: {  	_ = 	snop  }
0x3b: {  	_ = 	snop  }
0x3c: {  	p2 =	seq.s32 s10, $0x1;
	s10 =	sld [smem:$0x3FAC]  }
0x3d: {  	_ =	shalt  }
0x3e: {  	_ =	shalt  }
0x3f: {  	_ =	shalt  }
0x40: {  	_ =	shalt  }
0x41: {  	_ =	shalt  }
0x42: {  	_ =	shalt  }
0x43: {  	_ =	shalt  }
0x44: {  	_ =	shalt  }
0x45: {  	_ =	shalt  }
0x46: {  	_ =	shalt  }
0x47: {  	_ =	shalt  }
0x48: {  	_ =	shalt  }
0x49: {  	_ =	shalt  }
0x4a: {  	_ =	shalt  }
0x4b: {  	_ =	shalt  }
0x4c: {  	_ =	shalt  }
0x4d: {  	_ =	shalt  }
0x4e: {  	_ =	shalt  }
0x4f: {  	_ =	shalt  }
0x50: {  	_ =	shalt  }
0x51: {  	_ =	shalt  }
0x52: {  	_ =	shalt  }
0x53: {  	_ =	shalt  }
0x54: {  	_ =	shalt  }
0x55: {  	_ =	shalt  }
0x56: {  	_ =	shalt  }
0x57: {  	_ =	shalt  }
0x58: {  	_ =	shalt  }
0x59: {  	_ =	shalt  }
0x5a: {  	_ =	shalt  }
0x5b: {  	_ =	shalt  }
0x5c: {  	_ =	shalt  }
0x5d: {  	_ =	shalt  }
0x5e: {  	_ =	shalt  }
0x5f: {  	_ =	shalt  }
0x60: {  	_ =	shalt  }
0x61: {  	_ =	shalt  }
0x62: {  	_ =	shalt  }
0x63: {  	_ =	shalt  }
0x64: {  	_ =	shalt  }
0x65: {  	_ =	shalt  }
0x66: {  	_ =	shalt  }
0x67: {  	_ =	shalt  }
0x68: {  	_ =	shalt  }
0x69: {  	_ =	shalt  }
0x6a: {  	_ =	shalt  }
0x6b: {  	_ =	shalt  }
0x6c: {  	_ =	shalt  }
0x6d: {  	_ =	shalt  }
0x6e: {  	_ =	shalt  }
0x6f: {  	_ =	shalt  }
0x70: {  	_ =	shalt  }
0x71: {  	_ =	shalt  }
0x72: {  	_ =	shalt  }
0x73: {  	_ =	shalt  }
0x74: {  	_ =	shalt  }
0x75: {  	_ =	shalt  }
0x76: {  	_ =	shalt  }
0x77: {  	_ =	shalt  }
0x78: {  	_ =	shalt  }
0x79: {  	_ =	shalt  }
0x7a: {  	_ =	shalt  }
0x7b: {  	_ =	shalt  }
0x7c: {  	_ =	shalt  }
0x7d: {  	_ =	shalt  }
0x7e: {  	_ =	shalt  }
0x7f: {  	_ =	shalt  }
0x80: {  	_ =	shalt  }
0x81: {  	_ =	shalt  }
0x82: {  	_ =	shalt  }
0x83: {  	_ =	shalt  }
0x84: {  	_ =	shalt  }
0x85: {  	_ =	shalt  }
0x86: {  	_ =	shalt  }
0x87: {  	_ =	shalt  }
.Lfunc_end0:
.L_simem_size_0:
called_computation.2_lowered:
.L_overlay_start_0:
0x88: {  	s2 =	sld [smem:$0x3FD9]  }
0x89: {  	s3 =	sld [smem:$0x3FFE];
	_ =	sdelay $0x1  }
0x8a: {  	s1 =	srdreg.scid  }
0x8b: {  	s0 =	sand.u32 $0x1, s1  }
0x8c: {  	s16 =	sshll.u32 s0, $0xA;
	s2 =	sadd.s32 s3, s2  }
0x8d: {  	s2 =	sadd.s32 s2, s16  }
0x8e: {  	[smem:$0x3FB8] =	sst s2  }
0x8f: {  	_ = 	snop  }
0x90: {  	(tm) =	ssettm $0x1  }
0x91: {  	s17 =	sld [smem:$0x3FFB];
	_ =	sdelay $0x3  }
0x92: {  	_ =	strace s17  }
0x93: {  	s2 =	sld [smem:$0x3FFC];
	_ =	sdelay $0x3  }
0x94: {  	_ =	strace s2  }
0x95: {  	s2 =	sld [smem:$0x3FFD];
	_ =	sdelay $0x3  }
0x96: {  	_ =	strace s2  }
0x97: {  	_ =	strace $0x8FFFFFFF  }
0x98: {  	s18 =	sld [smem:$0x3FDB];
	_ =	sdelay $0x1  }
0x99: {  	s19 =	simm.s32 $_scs_section_size  }
0x9a: {  	s4 =	simm.s32 $_size__tile_overlayer_lowered;
	s5 =	simm.s32 $_tile_overlayer_lowered  }
0x9b: {  	s22 =	simm.s32 $0x1BFF;
	s21 =	sshll.u32 s5, $0x1;
	s2 =	sadd.s32 s19, s18  }
0x9c: {  	s6 =	simm.s32 $0x0;
	s20 =	sshll.u32 s4, $0x1;
	s4 =	sadd.s32 s21, s2  }
0x9d: {  	[timem:s6], [sflag:s22] =	dma.local [hbm:s4], s20  }
0x9e: {  	_ =	swait.ge [sflag:s22], s20  }
0x9f: {  	s3 =	ssub.s32 $0x0, s20;
	[sflag:s22] =	ssyncset.done $0x0  }
0xa0: {  	[sflag:s22] =	ssyncadd.s32 s3;
	_ =	sdelay $0x1  }
0xa1: {  	s23 =	simm.s32 $0x1B8B  }
0xa2: {  	_ =	swait.ge [sflag:s23], $0x1  }
0xa3: {  	[sflag:s23] =	ssyncset.done $0x0  }
0xa4: {  	s25 =	simm.s32 $0x1B8E;
	s24 =	sld [smem:$0x3FFE];
	[sflag:s23] =	ssyncadd.s32 $0xFFFFFFFF  }
0xa5: {  	s26 =	simm.s32 $execute0_lowered;
	[smem:$0x3FD2] =	sst s25  }
0xa6: {  	s4 =	sshll.u32 s26, $0x1;
	_ =	strace $0x8000004C;
	[dreg:$0x1] =	wrdreg $0xFFFFFFFF  }
0xa7: {  	s28 =	simm.s32 $_size_execute0_lowered;
	s2 =	sadd.s32 s2, s4;
	[dreg:$0x0] =	wrdreg $0x0  }
0xa8: {  	s4 =	sshll.u32 s28, $0x1;
	[dreg:$0x2] =	wrdreg s2  }
0xa9: {  	[dreg:$0x3] =	wrdreg s4  }
0xaa: {  	[dreg:$0x4] =	wrdreg $0xC0  }
0xab: {  	_ =	task [dreg:s6], $0x5FFFF  }
0xac: {  	[dreg:$0x1] =	wrdreg $0xFFFFFFFF  }
0xad: {  	[dreg:$0x0] =	wrdreg $0x60  }
0xae: {  	[dreg:$0x2] =	wrdreg s24  }
0xaf: {  	[dreg:$0x3] =	wrdreg $0x2C000  }
0xb0: {  	[dreg:$0x4] =	wrdreg $0x9  }
0xb1: {  	_ =	task.clear_ibuf [dreg:s6], $0x5FFFF;
	_ =	strace $0x9000004C  }
0xb2: {  	s29 =	simm.s32 $0x9;
	_ =	strace $0x8000004E  }
0xb3: {  	_ =	swait.ge [sflag:s29], $0x1  }
0xb4: {  	[sflag:s29] =	ssyncadd.s32 $0xFFFFFFFF  }
0xb5: {  	_ =	strace $0x9000004E  }
0xb6: {  	_ =	sfence  }
0xb7: {  	s30 =	sld [smem:$0x0];
	_ =	sdelay $0x2  }
0xb8: {  	s31 =	sshll.u32 s1, $0xD;
	s1 =	sshrl.u32 s1, $0x2  }
0xb9: {  	s3 =	sand.u32 $0x4000, s31;
	s1 =	sadd.s32 s1, s30  }
0xba: {  	s0 =	sor.u32 s3, s0;
	s1 =	sshll.u32 s1, $0x11  }
0xbb: {  	s0 =	sor.u32 s1, s0  }
0xbc: {  	s0 =	sadd.s32 $0x8F2B, s0  }
0xbd: {  	[sflag:s0] =	ssyncadd.remote.s32 $0x1  }
0xbe: {  	_ =	sfence.sel $0xFFFF  }
0xbf: {  	[dreg:$0x0] =	wrdreg $0xFFFFFFFF;
	(pc) =	sbr.abs _section_cstart, $3  }
0xc0: {  	[dreg:$0x1] =	wrdreg $0xFFFFFFFF  }
0xc1: {  	_ =	task.clear_ibuf [dreg:s6], $0x2FFFF;
	_ =	strace $0x9FFFFFFF  }
0xc2: {  	(tm) =	ssettm $0x7FFFFFFF  }
0xc3: {  	_ =	shalt  }
tec
execute0_lowered:
.L_overlay_start_1:
0x0: {  	(tag) =	ssettag $0x1  }
0x1: {  	s5 =	rddreg [dreg:$0x0];
	s0 =	srdreg.scid  }
0x2: {  	s2 =	rddreg [dreg:$0x1];
	s1 =	stileid.u32;
	s3 =	simm.s32 $0x0  }
0x3: {  	s13 =	simm.s32 $0x400;
	s14 =	simm.s32 $0x1;
	s8 =	smul.u32 $0x2700, s1  }
0x4: {  	s15 =	simm.s32 $0x80;
	s16 =	simm.s32 $0x0;
	s26 =	smul.u32 $0x4E000, s1  }
0x5: {  	s6 =	sand.u32 $0x1, s0;
	s0 =	rddreg [dreg:$0x2];
	s30 =	smul.u32 $0x3E80, s1  }
0x6: {  	[smem:$0x7FF] =	sst s3;
	s4 =	sadd.s32 $0x8CA00, s5;
	s7 =	smul.u32 $0x3E800, s6  }
0x7: {  	s31 =	sshll.u32 s1, $0x6;
	s9 =	smul.u32 $0x27100, s6;
	s6 =	ssub.s32 $0x2, s6  }
0x8: {  	_ =	strace $0x8000004D;
	s28 =	sshrl.u32 s6, $0x1;
	s29 =	sshrl.u32 s26, $0x2  }
0x9: {  	s10 =	sadd.s32 s7, s5;
	s25 =	sadd.s32 s8, s9;
	s8 =	sadd.s32 s8, s5  }
0xa: {  	s11 =	ssub.s32 s6, s28;
	s12 =	sadd.s32 s29, s2;
	s6 =	sor.u32 $0x1C02, s31  }
0xb: {  	s7 =	sadd.s32 s25, s5;
	s5 =	sadd.s32 $0xDAE00, s8;
	s9 =	sadd.s32 s30, s10  }
0xc: {  	s8 =	smax.u32 s11, $0x1;
	s10 =	sshrl.u32 s12, $0x3;
	s11 =	simm.s32 $0x2  }
0xd: {  	s12 =	simm.s32 $0x50;
	s7 =	sadd.s32 $0x102000, s7;
	s9 =	sadd.s32 $0xFA00, s9  }
.LBB2_1:
0xe: {  	[spmem:s10], [sflag:s6] =	dma.local [hbm:s5], $0x2800  }
0xf: {  	_ =	swait.ge [sflag:s11], $0x2800  }
0x10: {  	[sflag:s11] =	ssyncset.done $0x0  }
0x11: {  	[sflag:s11] =	ssyncadd.s32 $0xFFFFD800  }
0x12: {  	s17 =	sadd.s32 $0x0, s9;
	[bflag:$0x0] =	sbarrier.arrive $0xFFFF  }
0x13: {  	[tilespmem:s3], [sflag:$0x2] =	stream.linear.gather [hbm4b:s17+s3], $0x400, $0x38;
	[tilespmem:$0x1A480] =	vst v63  }
0x14: {  	_ =	swait.ge [sflag:s11], $0x400  }
0x15: {  	[sflag:s11] =	ssyncset.done $0x0  }
0x16: {  	[sflag:s11] =	ssyncadd.s32 $0xFFFFFC00  }
0x17: {  	[tilespmem:s13], [sflag:$0x1] =	stream.indirect.gather [hbm4b:s4+s12], $0x80, s3, s12, $0xb8;
	[tilespmem:$0x1A480] =	vst v63  }
0x18: {  	_ =	swait.ge [sflag:s14], $0x2800  }
0x19: {  	[sflag:s14] =	ssyncset.done $0x0  }
0x1a: {  	[sflag:s14] =	ssyncadd.s32 $0xFFFFD800  }
0x1b: {  	[spmem:s2] =	stream.indirect.scatter.add.f32 [tilespmem:s13], [sflag:$0x2], $0x80, s15, s12, $0xb8;
	[tilespmem:$0x1A480] =	vst v63  }
0x1c: {  	_ =	swait.ge [sflag:s11], $0x2800  }
0x1d: {  	s18 =	simm.s32 $0x100;
	s17 =	simm.s32 $0x80;
	[sflag:s11] =	ssyncset.done $0x0  }
.LBB2_2:
0x1e: {  	s19 =	sadd.s32 s17, s9  }
0x1f: {  	[sflag:s11] =	ssyncadd.s32 $0xFFFFD800;
	s17 =	smov.u32 s18;
	s20 =	sadd.s32 $0x80, s18  }
0x20: {  	[tilespmem:s3], [sflag:$0x2] =	stream.linear.gather [hbm4b:s19+s3], $0x400, $0x38;
	[tilespmem:$0x1A480] =	vst v63  }
0x21: {  	p0 =	sne.s32 s18, $0x3E00;
	_ =	swait.ge [sflag:s11], $0x400  }
0x22: {  	[sflag:s11] =	ssyncset.done $0x0  }
0x23: {  	[sflag:s11] =	ssyncadd.s32 $0xFFFFFC00  }
0x24: {  	[tilespmem:s13], [sflag:$0x1] =	stream.indirect.gather [hbm4b:s4+s12], $0x80, s3, s12, $0xb8;
	[tilespmem:$0x1A480] =	vst v63  }
0x25: {  	_ =	swait.ge [sflag:s14], $0x2800  }
.Ltmp0:
0x26: {  	[sflag:s14] =	ssyncset.done $0x0;
	(pc) =	sbr.rel @p0 .LBB2_2-.Ltmp0, $4  }
0x27: {  	[sflag:s14] =	ssyncadd.s32 $0xFFFFD800  }
0x28: {  	[spmem:s2] =	stream.indirect.scatter.add.f32 [tilespmem:s13], [sflag:$0x2], $0x80, s15, s12, $0xb8;
	[tilespmem:$0x1A480] =	vst v63  }
0x29: {  	_ =	swait.ge [sflag:s11], $0x2800  }
0x2a: {  	s18 =	smov.u32 s20;
	[sflag:s11] =	ssyncset.done $0x0  }
0x2b: {  	s17 =	sadd.s32 s17, s9;
	[sflag:s11] =	ssyncadd.s32 $0xFFFFD800  }
0x2c: {  	[tilespmem:s3], [sflag:$0x2] =	stream.linear.gather [hbm4b:s17+s3], $0x400, $0x38;
	[tilespmem:$0x1A480] =	vst v63  }
0x2d: {  	_ =	swait.ge [sflag:s11], $0x400  }
0x2e: {  	[sflag:s11] =	ssyncset.done $0x0  }
0x2f: {  	[sflag:s11] =	ssyncadd.s32 $0xFFFFFC00  }
0x30: {  	[tilespmem:s13], [sflag:$0x1] =	stream.indirect.gather [hbm4b:s4+s12], $0x80, s3, s12, $0xb8;
	[tilespmem:$0x1A480] =	vst v63  }
0x31: {  	_ =	swait.ge [sflag:s14], $0x2800  }
0x32: {  	[sflag:s14] =	ssyncset.done $0x0  }
0x33: {  	[sflag:s14] =	ssyncadd.s32 $0xFFFFD800  }
0x34: {  	[spmem:s2] =	stream.indirect.scatter.add.f32 [tilespmem:s13], [sflag:$0x2], $0x80, s15, s12, $0xb8;
	[tilespmem:$0x1A480] =	vst v63  }
0x35: {  	_ =	swait.ge [sflag:s11], $0x2800  }
0x36: {  	s16 =	sadd.s32 $0x1, s16;
	[sflag:s11] =	ssyncset.done $0x0  }
0x37: {  	p0 =	sne.s32 s16, s8;
	[sflag:s11] =	ssyncadd.s32 $0xFFFFD800  }
.Ltmp1:
0x38: {  	[bflag:$0x0] =	sbarrier.arrive $0xFFFF;
	(pc) =	sbr.rel @p0 .LBB2_1-.Ltmp1, $4  }
0x39: {  	[hbm:s7], [sflag:s6] =	dma.local [spmem:s10], $0x2800  }
0x3a: {  	_ =	swait.ge [sflag:s11], $0x2800  }
0x3b: {  	[sflag:s11] =	ssyncset.done $0x0  }
0x3c: {  	[sflag:s11] =	ssyncadd.s32 $0xFFFFD800  }
0x3d: {  	_ =	sfence.sel $0x180000  }
0x3e: {  	[bflag:$0x0] =	sbarrier.arrive $0xFFFF  }
0x3f: {  	p0 =	sne.s32 s1, $0x0;
	_ =	strace $0x9000004D  }
0x40: {  	s0 =	sadd.s32 @!p0 $0x100000, s0;
	[bflag:$0x2] =	sbarrier.arrive $0xFFFF  }
0x41: {  	[sflag:s0] =	ssyncadd.tile.s32 @!p0 $0x1;
	_ =	shalt  }
.Lfunc_end2:
_tile_overlayer_lowered:
.L_overlay_start_2:
0x42: {  	(tag) =	ssettag $0x2  }
0x43: {  	s0 =	rddreg [dreg:$0x0];
	s2 =	stileid.u32  }
0x44: {  	s1 =	rddreg [dreg:$0x1];
	p0 =	sne.s32 s2, $0x0  }
0x45: {  	s3 =	rddreg [dreg:$0x2];
	[bflag:$0x3] =	sbarrier.arrive $0xFFFF;
	s2 =	simm.s32 @!p0 $0x1C02  }
0x46: {  	[timem:s3], [sflag:s2] =	dma.local @!p0 [hbm:s0], s1  }
0x47: {  	s0 =	simm.s32 @!p0 $0x2  }
0x48: {  	_ =	swait.ge @!p0 [sflag:s0], s1  }
0x49: {  	s1 =	ssub.s32 @!p0 $0x0, s1;
	[sflag:s0] =	ssyncset.done @!p0 $0x0  }
0x4a: {  	[sflag:s0] =	ssyncadd.s32 @!p0 s1  }
0x4b: {  	[bflag:$0x3] =	sbarrier.arrive $0xFFFF  }
0x4c: {  	_ =	shalt  }

// kernel: kernel.22.cloned.1.call-start
scs
__scs_entry_jumppad:
0x0: {  	(pc) =	sbr.rel $0x88, $3  }
0x1: {  	(tag) =	ssettag $0x0;
	lr =	simm.s32 $0x1  }
0x2: {  	[smem:$0x3F91] =	sst lr;
	_ =	strace $0xD0000000  }
0x3: {  	_ = 	snop  }
0x4: {  	_ = 	snop  }
0x5: {  	_ = 	snop  }
0x6: {  	_ = 	snop  }
0x7: {  	_ = 	snop  }
__scs_overlays_trampoline_lowered:
0x8: {  	[smem:$0x3FA0] =	sst s0  }
0x9: {  	[smem:$0x3FA1] =	sst s1  }
0xa: {  	[smem:$0x3FA2] =	sst s2  }
0xb: {  	[smem:$0x3FA3] =	sst s3  }
0xc: {  	[smem:$0x3FA4] =	sst s4  }
0xd: {  	[smem:$0x3FA5] =	sst s5  }
0xe: {  	[smem:$0x3FA6] =	sst s6  }
0xf: {  	[smem:$0x3FA7] =	sst s7  }
0x10: {  	[smem:$0x3FA8] =	sst s8  }
0x11: {  	[smem:$0x3FA9] =	sst s9;
	s0 =	simm.s32 @!p0 $0x0  }
0x12: {  	s1 =	sld [smem:$0x3F8F];
	s0 =	simm.s32 @p0 $0x1  }
0x13: {  	[smem:$0x3FAA] =	sst s0;
	s0 =	simm.s32 @!p1 $0x0  }
0x14: {  	s2 =	sld [smem:$0x3F8E];
	s0 =	simm.s32 @p1 $0x1  }
0x15: {  	[smem:$0x3FAB] =	sst s0;
	s0 =	simm.s32 @!p2 $0x0  }
0x16: {  	s3 =	sld [smem:$0x3FDB];
	s0 =	simm.s32 @p2 $0x1  }
0x17: {  	s4 =	simm.s32 $0x1BF5;
	[smem:$0x3FAD] =	sst s0  }
0x18: {  	s0 =	sld [smem:$0x3F90];
	_ =	swait.ge [sflag:s4], $0x0  }
0x19: {  	s7 =	sld [smem:$0x3F91]  }
0x1a: {  	s8 =	sadd.s32 $0xFFFFE003, lr  }
0x1b: {  	s9 =	sadd.s32 $0xFFFFFEF7, lr;
	s5 =	simm.s32 $0xFFFFFFFF;
	p2 =	slt.u32 s8, $0xFFFFF086  }
0x1c: {  	p1 =	slt.u32 s9, $0xF7A;
	s5 =	simm.s32 @!p2 $0x0  }
0x1d: {  	s5 =	simm.s32 @p1 $0x1;
	p0 =	seq.s32 s7, s2  }
0x1e: {  	s7 =	smul.u32 @!p0 $0xF7A, s2;
	p2 =	seq.s32 @!p0 s5, $0x0  }
0x1f: {  	s9 =	smul.u32 $0xF7A, s1;
	s8 =	simm.s32 @!p0 $0x1BF5;
	p2 =	por !p2, p0  }
0x20: {  	[sflag:s8] =	ssyncset.s32 @!p0 $0xFFFFF086;
	s6 =	sadd.s32 @!p0 s3, s7;
	s7 =	simm.s32 @!p0 $0x108  }
0x21: {  	s3 =	sadd.s32 s3, s9;
	s6 =	sadd.s32 @!p0 $0x88, s6;
	s7 =	simm.s32 @p2 $0x1082  }
0x22: {  	[simem:s7], [sflag:s8] =	dma.local @!p0 [hbm:s6], $0xF7A  }
0x23: {  	s9 =	sor.u32 $0xD0000000, s2;
	s6 =	simm.s32 $0x108;
	_ =	swait.ge @!p0 [sflag:s8], $0x0  }
0x24: {  	s3 =	sadd.s32 $0x88, s3;
	s6 =	simm.s32 @!p1 $0x1082;
	[sflag:s4] =	ssyncset.s32 $0xFFFFF086  }
0x25: {  	[simem:s6], [sflag:s4] =	dma.local [hbm:s3], $0xF7A  }
0x26: {  	[smem:$0x3F91] =	sst s1;
	(tag) =	ssettag s2;
	_ =	strace s9  }
0x27: {  	s1 =	sld [smem:$0x3FA1]  }
0x28: {  	s2 =	sld [smem:$0x3FA2]  }
0x29: {  	s4 =	sld [smem:$0x3FA4]  }
0x2a: {  	p0 =	seq.s32 s5, $0x0;
	s5 =	sld [smem:$0x3FA5]  }
0x2b: {  	s6 =	sld [smem:$0x3FA6]  }
0x2c: {  	s7 =	sld [smem:$0x3FA7]  }
0x2d: {  	s3 =	simm.s32 $0x108;
	s8 =	sld [smem:$0x3FA8]  }
0x2e: {  	s3 =	simm.s32 @!p0 $0x1082;
	s9 =	sld [smem:$0x3FA9]  }
0x2f: {  	lr =	sadd.s32 s0, s3;
	s0 =	sld [smem:$0x3FA0]  }
0x30: {  	s3 =	sld [smem:$0x3FA3]  }
0x31: {  	[smem:$0x3FAC] =	sst s10  }
0x32: {  	s10 =	sld [smem:$0x3FAA];
	_ =	sdelay $0x3  }
0x33: {  	p0 =	seq.s32 s10, $0x1;
	s10 =	sld [smem:$0x3FAC];
	_ =	sdelay $0x3  }
0x34: {  	[smem:$0x3FAC] =	sst s10  }
0x35: {  	s10 =	sld [smem:$0x3FAB];
	_ =	sdelay $0x3  }
0x36: {  	p1 =	seq.s32 s10, $0x1;
	s10 =	sld [smem:$0x3FAC];
	_ =	sdelay $0x3  }
0x37: {  	[smem:$0x3FAC] =	sst s10  }
0x38: {  	s10 =	sld [smem:$0x3FAD]  }
0x39: {  	_ = 	snop;
	(pc) =	sbr.ind lr, $3  }
0x3a: {  	_ = 	snop  }
0x3b: {  	_ = 	snop  }
0x3c: {  	p2 =	seq.s32 s10, $0x1;
	s10 =	sld [smem:$0x3FAC]  }
0x3d: {  	_ =	shalt  }
0x3e: {  	_ =	shalt  }
0x3f: {  	_ =	shalt  }
0x40: {  	_ =	shalt  }
0x41: {  	_ =	shalt  }
0x42: {  	_ =	shalt  }
0x43: {  	_ =	shalt  }
0x44: {  	_ =	shalt  }
0x45: {  	_ =	shalt  }
0x46: {  	_ =	shalt  }
0x47: {  	_ =	shalt  }
0x48: {  	_ =	shalt  }
0x49: {  	_ =	shalt  }
0x4a: {  	_ =	shalt  }
0x4b: {  	_ =	shalt  }
0x4c: {  	_ =	shalt  }
0x4d: {  	_ =	shalt  }
0x4e: {  	_ =	shalt  }
0x4f: {  	_ =	shalt  }
0x50: {  	_ =	shalt  }
0x51: {  	_ =	shalt  }
0x52: {  	_ =	shalt  }
0x53: {  	_ =	shalt  }
0x54: {  	_ =	shalt  }
0x55: {  	_ =	shalt  }
0x56: {  	_ =	shalt  }
0x57: {  	_ =	shalt  }
0x58: {  	_ =	shalt  }
0x59: {  	_ =	shalt  }
0x5a: {  	_ =	shalt  }
0x5b: {  	_ =	shalt  }
0x5c: {  	_ =	shalt  }
0x5d: {  	_ =	shalt  }
0x5e: {  	_ =	shalt  }
0x5f: {  	_ =	shalt  }
0x60: {  	_ =	shalt  }
0x61: {  	_ =	shalt  }
0x62: {  	_ =	shalt  }
0x63: {  	_ =	shalt  }
0x64: {  	_ =	shalt  }
0x65: {  	_ =	shalt  }
0x66: {  	_ =	shalt  }
0x67: {  	_ =	shalt  }
0x68: {  	_ =	shalt  }
0x69: {  	_ =	shalt  }
0x6a: {  	_ =	shalt  }
0x6b: {  	_ =	shalt  }
0x6c: {  	_ =	shalt  }
0x6d: {  	_ =	shalt  }
0x6e: {  	_ =	shalt  }
0x6f: {  	_ =	shalt  }
0x70: {  	_ =	shalt  }
0x71: {  	_ =	shalt  }
0x72: {  	_ =	shalt  }
0x73: {  	_ =	shalt  }
0x74: {  	_ =	shalt  }
0x75: {  	_ =	shalt  }
0x76: {  	_ =	shalt  }
0x77: {  	_ =	shalt  }
0x78: {  	_ =	shalt  }
0x79: {  	_ =	shalt  }
0x7a: {  	_ =	shalt  }
0x7b: {  	_ =	shalt  }
0x7c: {  	_ =	shalt  }
0x7d: {  	_ =	shalt  }
0x7e: {  	_ =	shalt  }
0x7f: {  	_ =	shalt  }
0x80: {  	_ =	shalt  }
0x81: {  	_ =	shalt  }
0x82: {  	_ =	shalt  }
0x83: {  	_ =	shalt  }
0x84: {  	_ =	shalt  }
0x85: {  	_ =	shalt  }
0x86: {  	_ =	shalt  }
0x87: {  	_ =	shalt  }
.Lfunc_end0:
.L_simem_size_0:
called_computation.3_lowered:
.L_overlay_start_0:
0x88: {  	s2 =	sld [smem:$0x3FD9]  }
0x89: {  	s3 =	sld [smem:$0x3FFE];
	_ =	sdelay $0x1  }
0x8a: {  	s1 =	srdreg.scid  }
0x8b: {  	s0 =	sand.u32 $0x1, s1  }
0x8c: {  	s16 =	sshll.u32 s0, $0xA;
	s2 =	sadd.s32 s3, s2  }
0x8d: {  	s2 =	sadd.s32 s2, s16  }
0x8e: {  	[smem:$0x3FB8] =	sst s2  }
0x8f: {  	_ = 	snop  }
0x90: {  	(tm) =	ssettm $0x1  }
0x91: {  	s17 =	sld [smem:$0x3FFB];
	_ =	sdelay $0x3  }
0x92: {  	_ =	strace s17  }
0x93: {  	s2 =	sld [smem:$0x3FFC];
	_ =	sdelay $0x3  }
0x94: {  	_ =	strace s2  }
0x95: {  	s2 =	sld [smem:$0x3FFD];
	_ =	sdelay $0x3  }
0x96: {  	_ =	strace s2  }
0x97: {  	_ =	strace $0x8FFFFFFF  }
0x98: {  	s18 =	sld [smem:$0x3FDB];
	_ =	sdelay $0x1  }
0x99: {  	s19 =	simm.s32 $_scs_section_size  }
0x9a: {  	s4 =	simm.s32 $_size__tile_overlayer_lowered;
	s5 =	simm.s32 $_tile_overlayer_lowered  }
0x9b: {  	s22 =	simm.s32 $0x1BFF;
	s21 =	sshll.u32 s5, $0x1;
	s2 =	sadd.s32 s19, s18  }
0x9c: {  	s6 =	simm.s32 $0x0;
	s20 =	sshll.u32 s4, $0x1;
	s4 =	sadd.s32 s21, s2  }
0x9d: {  	[timem:s6], [sflag:s22] =	dma.local [hbm:s4], s20  }
0x9e: {  	_ =	swait.ge [sflag:s22], s20  }
0x9f: {  	s3 =	ssub.s32 $0x0, s20;
	[sflag:s22] =	ssyncset.done $0x0  }
0xa0: {  	[sflag:s22] =	ssyncadd.s32 s3;
	_ =	sdelay $0x1  }
0xa1: {  	s23 =	simm.s32 $0x1B8B  }
0xa2: {  	_ =	swait.ge [sflag:s23], $0x1  }
0xa3: {  	[sflag:s23] =	ssyncset.done $0x0  }
0xa4: {  	s25 =	simm.s32 $0x1B8E;
	s24 =	sld [smem:$0x3FFE];
	[sflag:s23] =	ssyncadd.s32 $0xFFFFFFFF  }
0xa5: {  	s26 =	simm.s32 $execute0_lowered;
	[smem:$0x3FD2] =	sst s25  }
0xa6: {  	s4 =	sshll.u32 s26, $0x1;
	_ =	strace $0x8000004F;
	[dreg:$0x1] =	wrdreg $0xFFFFFFFF  }
0xa7: {  	s28 =	simm.s32 $_size_execute0_lowered;
	s2 =	sadd.s32 s2, s4;
	[dreg:$0x0] =	wrdreg $0x0  }
0xa8: {  	s4 =	sshll.u32 s28, $0x1;
	[dreg:$0x2] =	wrdreg s2  }
0xa9: {  	[dreg:$0x3] =	wrdreg s4  }
0xaa: {  	[dreg:$0x4] =	wrdreg $0xC0  }
0xab: {  	_ =	task [dreg:s6], $0x5FFFF  }
0xac: {  	[dreg:$0x1] =	wrdreg $0xFFFFFFFF  }
0xad: {  	[dreg:$0x0] =	wrdreg $0x60  }
0xae: {  	[dreg:$0x2] =	wrdreg s24  }
0xaf: {  	[dreg:$0x3] =	wrdreg $0x2C000  }
0xb0: {  	[dreg:$0x4] =	wrdreg $0x9  }
0xb1: {  	_ =	task.clear_ibuf [dreg:s6], $0x5FFFF;
	_ =	strace $0x9000004F  }
0xb2: {  	s29 =	simm.s32 $0x9;
	_ =	strace $0x80000051  }
0xb3: {  	_ =	swait.ge [sflag:s29], $0x1  }
0xb4: {  	[sflag:s29] =	ssyncadd.s32 $0xFFFFFFFF  }
0xb5: {  	_ =	strace $0x90000051  }
0xb6: {  	_ =	sfence  }
0xb7: {  	s30 =	sld [smem:$0x0];
	_ =	sdelay $0x2  }
0xb8: {  	s31 =	sshll.u32 s1, $0xD;
	s1 =	sshrl.u32 s1, $0x2  }
0xb9: {  	s3 =	sand.u32 $0x4000, s31;
	s1 =	sadd.s32 s1, s30  }
0xba: {  	s0 =	sor.u32 s3, s0;
	s1 =	sshll.u32 s1, $0x11  }
0xbb: {  	s0 =	sor.u32 s1, s0  }
0xbc: {  	s0 =	sadd.s32 $0x8F2B, s0  }
0xbd: {  	[sflag:s0] =	ssyncadd.remote.s32 $0x1  }
0xbe: {  	_ =	sfence.sel $0xFFFF  }
0xbf: {  	[dreg:$0x0] =	wrdreg $0xFFFFFFFF;
	(pc) =	sbr.abs _section_cstart, $3  }
0xc0: {  	[dreg:$0x1] =	wrdreg $0xFFFFFFFF  }
0xc1: {  	_ =	task.clear_ibuf [dreg:s6], $0x2FFFF;
	_ =	strace $0x9FFFFFFF  }
0xc2: {  	(tm) =	ssettm $0x7FFFFFFF  }
0xc3: {  	_ =	shalt  }
tec
execute0_lowered:
.L_overlay_start_1:
0x0: {  	(tag) =	ssettag $0x1  }
0x1: {  	s5 =	rddreg [dreg:$0x0];
	s0 =	srdreg.scid  }
0x2: {  	s2 =	rddreg [dreg:$0x1];
	s1 =	stileid.u32;
	s3 =	simm.s32 $0x0  }
0x3: {  	s13 =	simm.s32 $0x400;
	s14 =	simm.s32 $0x1;
	s8 =	smul.u32 $0x2700, s1  }
0x4: {  	s15 =	simm.s32 $0x80;
	s16 =	simm.s32 $0x0;
	s26 =	smul.u32 $0x4E000, s1  }
0x5: {  	s6 =	sand.u32 $0x1, s0;
	s0 =	rddreg [dreg:$0x2];
	s30 =	smul.u32 $0x3E80, s1  }
0x6: {  	[smem:$0x7FF] =	sst s3;
	s4 =	sadd.s32 $0x8CA00, s5;
	s7 =	smul.u32 $0x3E800, s6  }
0x7: {  	s31 =	sshll.u32 s1, $0x6;
	s9 =	smul.u32 $0x27100, s6;
	s6 =	ssub.s32 $0x2, s6  }
0x8: {  	_ =	strace $0x80000050;
	s28 =	sshrl.u32 s6, $0x1;
	s29 =	sshrl.u32 s26, $0x2  }
0x9: {  	s10 =	sadd.s32 s7, s5;
	s25 =	sadd.s32 s8, s9;
	s8 =	sadd.s32 s8, s5  }
0xa: {  	s11 =	ssub.s32 s6, s28;
	s12 =	sadd.s32 s29, s2;
	s6 =	sor.u32 $0x1C02, s31  }
0xb: {  	s7 =	sadd.s32 s25, s5;
	s5 =	sadd.s32 $0xDAE00, s8;
	s9 =	sadd.s32 s30, s10  }
0xc: {  	s8 =	smax.u32 s11, $0x1;
	s10 =	sshrl.u32 s12, $0x3;
	s11 =	simm.s32 $0x2  }
0xd: {  	s12 =	simm.s32 $0x50;
	s7 =	sadd.s32 $0x102000, s7;
	s9 =	sadd.s32 $0xFA00, s9  }
.LBB2_1:
0xe: {  	[spmem:s10], [sflag:s6] =	dma.local [hbm:s5], $0x2800  }
0xf: {  	_ =	swait.ge [sflag:s11], $0x2800  }
0x10: {  	[sflag:s11] =	ssyncset.done $0x0  }
0x11: {  	[sflag:s11] =	ssyncadd.s32 $0xFFFFD800  }
0x12: {  	s17 =	sadd.s32 $0x0, s9;
	[bflag:$0x0] =	sbarrier.arrive $0xFFFF  }
0x13: {  	[tilespmem:s3], [sflag:$0x2] =	stream.linear.gather [hbm4b:s17+s3], $0x400, $0x38;
	[tilespmem:$0x1A480] =	vst v63  }
0x14: {  	_ =	swait.ge [sflag:s11], $0x400  }
0x15: {  	[sflag:s11] =	ssyncset.done $0x0  }
0x16: {  	[sflag:s11] =	ssyncadd.s32 $0xFFFFFC00  }
0x17: {  	[tilespmem:s13], [sflag:$0x1] =	stream.indirect.gather [hbm4b:s4+s12], $0x80, s3, s12, $0xb8;
	[tilespmem:$0x1A480] =	vst v63  }
0x18: {  	_ =	swait.ge [sflag:s14], $0x2800  }
0x19: {  	[sflag:s14] =	ssyncset.done $0x0  }
0x1a: {  	[sflag:s14] =	ssyncadd.s32 $0xFFFFD800  }
0x1b: {  	[spmem:s2] =	stream.indirect.scatter.add.f32 [tilespmem:s13], [sflag:$0x2], $0x80, s15, s12, $0xb8;
	[tilespmem:$0x1A480] =	vst v63  }
0x1c: {  	_ =	swait.ge [sflag:s11], $0x2800  }
0x1d: {  	s18 =	simm.s32 $0x100;
	s17 =	simm.s32 $0x80;
	[sflag:s11] =	ssyncset.done $0x0  }
.LBB2_2:
0x1e: {  	s19 =	sadd.s32 s17, s9  }
0x1f: {  	[sflag:s11] =	ssyncadd.s32 $0xFFFFD800;
	s17 =	smov.u32 s18;
	s20 =	sadd.s32 $0x80, s18  }
0x20: {  	[tilespmem:s3], [sflag:$0x2] =	stream.linear.gather [hbm4b:s19+s3], $0x400, $0x38;
	[tilespmem:$0x1A480] =	vst v63  }
0x21: {  	p0 =	sne.s32 s18, $0x3E00;
	_ =	swait.ge [sflag:s11], $0x400  }
0x22: {  	[sflag:s11] =	ssyncset.done $0x0  }
0x23: {  	[sflag:s11] =	ssyncadd.s32 $0xFFFFFC00  }
0x24: {  	[tilespmem:s13], [sflag:$0x1] =	stream.indirect.gather [hbm4b:s4+s12], $0x80, s3, s12, $0xb8;
	[tilespmem:$0x1A480] =	vst v63  }
0x25: {  	_ =	swait.ge [sflag:s14], $0x2800  }
.Ltmp0:
0x26: {  	[sflag:s14] =	ssyncset.done $0x0;
	(pc) =	sbr.rel @p0 .LBB2_2-.Ltmp0, $4  }
0x27: {  	[sflag:s14] =	ssyncadd.s32 $0xFFFFD800  }
0x28: {  	[spmem:s2] =	stream.indirect.scatter.add.f32 [tilespmem:s13], [sflag:$0x2], $0x80, s15, s12, $0xb8;
	[tilespmem:$0x1A480] =	vst v63  }
0x29: {  	_ =	swait.ge [sflag:s11], $0x2800  }
0x2a: {  	s18 =	smov.u32 s20;
	[sflag:s11] =	ssyncset.done $0x0  }
0x2b: {  	s17 =	sadd.s32 s17, s9;
	[sflag:s11] =	ssyncadd.s32 $0xFFFFD800  }
0x2c: {  	[tilespmem:s3], [sflag:$0x2] =	stream.linear.gather [hbm4b:s17+s3], $0x400, $0x38;
	[tilespmem:$0x1A480] =	vst v63  }
0x2d: {  	_ =	swait.ge [sflag:s11], $0x400  }
0x2e: {  	[sflag:s11] =	ssyncset.done $0x0  }
0x2f: {  	[sflag:s11] =	ssyncadd.s32 $0xFFFFFC00  }
0x30: {  	[tilespmem:s13], [sflag:$0x1] =	stream.indirect.gather [hbm4b:s4+s12], $0x80, s3, s12, $0xb8;
	[tilespmem:$0x1A480] =	vst v63  }
0x31: {  	_ =	swait.ge [sflag:s14], $0x2800  }
0x32: {  	[sflag:s14] =	ssyncset.done $0x0  }
0x33: {  	[sflag:s14] =	ssyncadd.s32 $0xFFFFD800  }
0x34: {  	[spmem:s2] =	stream.indirect.scatter.add.f32 [tilespmem:s13], [sflag:$0x2], $0x80, s15, s12, $0xb8;
	[tilespmem:$0x1A480] =	vst v63  }
0x35: {  	_ =	swait.ge [sflag:s11], $0x2800  }
0x36: {  	s16 =	sadd.s32 $0x1, s16;
	[sflag:s11] =	ssyncset.done $0x0  }
0x37: {  	p0 =	sne.s32 s16, s8;
	[sflag:s11] =	ssyncadd.s32 $0xFFFFD800  }
.Ltmp1:
0x38: {  	[bflag:$0x0] =	sbarrier.arrive $0xFFFF;
	(pc) =	sbr.rel @p0 .LBB2_1-.Ltmp1, $4  }
0x39: {  	[hbm:s7], [sflag:s6] =	dma.local [spmem:s10], $0x2800  }
0x3a: {  	_ =	swait.ge [sflag:s11], $0x2800  }
0x3b: {  	[sflag:s11] =	ssyncset.done $0x0  }
0x3c: {  	[sflag:s11] =	ssyncadd.s32 $0xFFFFD800  }
0x3d: {  	_ =	sfence.sel $0x180000  }
0x3e: {  	[bflag:$0x0] =	sbarrier.arrive $0xFFFF  }
0x3f: {  	p0 =	sne.s32 s1, $0x0;
	_ =	strace $0x90000050  }
0x40: {  	s0 =	sadd.s32 @!p0 $0x100000, s0;
	[bflag:$0x2] =	sbarrier.arrive $0xFFFF  }
0x41: {  	[sflag:s0] =	ssyncadd.tile.s32 @!p0 $0x1;
	_ =	shalt  }
.Lfunc_end2:
_tile_overlayer_lowered:
.L_overlay_start_2:
0x42: {  	(tag) =	ssettag $0x2  }
0x43: {  	s0 =	rddreg [dreg:$0x0];
	s2 =	stileid.u32  }
0x44: {  	s1 =	rddreg [dreg:$0x1];
	p0 =	sne.s32 s2, $0x0  }
0x45: {  	s3 =	rddreg [dreg:$0x2];
	[bflag:$0x3] =	sbarrier.arrive $0xFFFF;
	s2 =	simm.s32 @!p0 $0x1C02  }
0x46: {  	[timem:s3], [sflag:s2] =	dma.local @!p0 [hbm:s0], s1  }
0x47: {  	s0 =	simm.s32 @!p0 $0x2  }
0x48: {  	_ =	swait.ge @!p0 [sflag:s0], s1  }
0x49: {  	s1 =	ssub.s32 @!p0 $0x0, s1;
	[sflag:s0] =	ssyncset.done @!p0 $0x0  }
0x4a: {  	[sflag:s0] =	ssyncadd.s32 @!p0 s1  }
0x4b: {  	[bflag:$0x3] =	sbarrier.arrive $0xFFFF  }
0x4c: {  	_ =	shalt  }

// kernel: kernel.25.cloned.1.call-start
scs
__scs_entry_jumppad:
0x0: {  	(pc) =	sbr.rel $0x88, $3  }
0x1: {  	(tag) =	ssettag $0x0;
	lr =	simm.s32 $0x1  }
0x2: {  	[smem:$0x3F91] =	sst lr;
	_ =	strace $0xD0000000  }
0x3: {  	_ = 	snop  }
0x4: {  	_ = 	snop  }
0x5: {  	_ = 	snop  }
0x6: {  	_ = 	snop  }
0x7: {  	_ = 	snop  }
__scs_overlays_trampoline_lowered:
0x8: {  	[smem:$0x3FA0] =	sst s0  }
0x9: {  	[smem:$0x3FA1] =	sst s1  }
0xa: {  	[smem:$0x3FA2] =	sst s2  }
0xb: {  	[smem:$0x3FA3] =	sst s3  }
0xc: {  	[smem:$0x3FA4] =	sst s4  }
0xd: {  	[smem:$0x3FA5] =	sst s5  }
0xe: {  	[smem:$0x3FA6] =	sst s6  }
0xf: {  	[smem:$0x3FA7] =	sst s7  }
0x10: {  	[smem:$0x3FA8] =	sst s8  }
0x11: {  	[smem:$0x3FA9] =	sst s9;
	s0 =	simm.s32 @!p0 $0x0  }
0x12: {  	s1 =	sld [smem:$0x3F8F];
	s0 =	simm.s32 @p0 $0x1  }
0x13: {  	[smem:$0x3FAA] =	sst s0;
	s0 =	simm.s32 @!p1 $0x0  }
0x14: {  	s2 =	sld [smem:$0x3F8E];
	s0 =	simm.s32 @p1 $0x1  }
0x15: {  	[smem:$0x3FAB] =	sst s0;
	s0 =	simm.s32 @!p2 $0x0  }
0x16: {  	s3 =	sld [smem:$0x3FDB];
	s0 =	simm.s32 @p2 $0x1  }
0x17: {  	s4 =	simm.s32 $0x1BF5;
	[smem:$0x3FAD] =	sst s0  }
0x18: {  	s0 =	sld [smem:$0x3F90];
	_ =	swait.ge [sflag:s4], $0x0  }
0x19: {  	s7 =	sld [smem:$0x3F91]  }
0x1a: {  	s8 =	sadd.s32 $0xFFFFE003, lr  }
0x1b: {  	s9 =	sadd.s32 $0xFFFFFEF7, lr;
	s5 =	simm.s32 $0xFFFFFFFF;
	p2 =	slt.u32 s8, $0xFFFFF086  }
0x1c: {  	p1 =	slt.u32 s9, $0xF7A;
	s5 =	simm.s32 @!p2 $0x0  }
0x1d: {  	s5 =	simm.s32 @p1 $0x1;
	p0 =	seq.s32 s7, s2  }
0x1e: {  	s7 =	smul.u32 @!p0 $0xF7A, s2;
	p2 =	seq.s32 @!p0 s5, $0x0  }
0x1f: {  	s9 =	smul.u32 $0xF7A, s1;
	s8 =	simm.s32 @!p0 $0x1BF5;
	p2 =	por !p2, p0  }
0x20: {  	[sflag:s8] =	ssyncset.s32 @!p0 $0xFFFFF086;
	s6 =	sadd.s32 @!p0 s3, s7;
	s7 =	simm.s32 @!p0 $0x108  }
0x21: {  	s3 =	sadd.s32 s3, s9;
	s6 =	sadd.s32 @!p0 $0x88, s6;
	s7 =	simm.s32 @p2 $0x1082  }
0x22: {  	[simem:s7], [sflag:s8] =	dma.local @!p0 [hbm:s6], $0xF7A  }
0x23: {  	s9 =	sor.u32 $0xD0000000, s2;
	s6 =	simm.s32 $0x108;
	_ =	swait.ge @!p0 [sflag:s8], $0x0  }
0x24: {  	s3 =	sadd.s32 $0x88, s3;
	s6 =	simm.s32 @!p1 $0x1082;
	[sflag:s4] =	ssyncset.s32 $0xFFFFF086  }
0x25: {  	[simem:s6], [sflag:s4] =	dma.local [hbm:s3], $0xF7A  }
0x26: {  	[smem:$0x3F91] =	sst s1;
	(tag) =	ssettag s2;
	_ =	strace s9  }
0x27: {  	s1 =	sld [smem:$0x3FA1]  }
0x28: {  	s2 =	sld [smem:$0x3FA2]  }
0x29: {  	s4 =	sld [smem:$0x3FA4]  }
0x2a: {  	p0 =	seq.s32 s5, $0x0;
	s5 =	sld [smem:$0x3FA5]  }
0x2b: {  	s6 =	sld [smem:$0x3FA6]  }
0x2c: {  	s7 =	sld [smem:$0x3FA7]  }
0x2d: {  	s3 =	simm.s32 $0x108;
	s8 =	sld [smem:$0x3FA8]  }
0x2e: {  	s3 =	simm.s32 @!p0 $0x1082;
	s9 =	sld [smem:$0x3FA9]  }
0x2f: {  	lr =	sadd.s32 s0, s3;
	s0 =	sld [smem:$0x3FA0]  }
0x30: {  	s3 =	sld [smem:$0x3FA3]  }
0x31: {  	[smem:$0x3FAC] =	sst s10  }
0x32: {  	s10 =	sld [smem:$0x3FAA];
	_ =	sdelay $0x3  }
0x33: {  	p0 =	seq.s32 s10, $0x1;
	s10 =	sld [smem:$0x3FAC];
	_ =	sdelay $0x3  }
0x34: {  	[smem:$0x3FAC] =	sst s10  }
0x35: {  	s10 =	sld [smem:$0x3FAB];
	_ =	sdelay $0x3  }
0x36: {  	p1 =	seq.s32 s10, $0x1;
	s10 =	sld [smem:$0x3FAC];
	_ =	sdelay $0x3  }
0x37: {  	[smem:$0x3FAC] =	sst s10  }
0x38: {  	s10 =	sld [smem:$0x3FAD]  }
0x39: {  	_ = 	snop;
	(pc) =	sbr.ind lr, $3  }
0x3a: {  	_ = 	snop  }
0x3b: {  	_ = 	snop  }
0x3c: {  	p2 =	seq.s32 s10, $0x1;
	s10 =	sld [smem:$0x3FAC]  }
0x3d: {  	_ =	shalt  }
0x3e: {  	_ =	shalt  }
0x3f: {  	_ =	shalt  }
0x40: {  	_ =	shalt  }
0x41: {  	_ =	shalt  }
0x42: {  	_ =	shalt  }
0x43: {  	_ =	shalt  }
0x44: {  	_ =	shalt  }
0x45: {  	_ =	shalt  }
0x46: {  	_ =	shalt  }
0x47: {  	_ =	shalt  }
0x48: {  	_ =	shalt  }
0x49: {  	_ =	shalt  }
0x4a: {  	_ =	shalt  }
0x4b: {  	_ =	shalt  }
0x4c: {  	_ =	shalt  }
0x4d: {  	_ =	shalt  }
0x4e: {  	_ =	shalt  }
0x4f: {  	_ =	shalt  }
0x50: {  	_ =	shalt  }
0x51: {  	_ =	shalt  }
0x52: {  	_ =	shalt  }
0x53: {  	_ =	shalt  }
0x54: {  	_ =	shalt  }
0x55: {  	_ =	shalt  }
0x56: {  	_ =	shalt  }
0x57: {  	_ =	shalt  }
0x58: {  	_ =	shalt  }
0x59: {  	_ =	shalt  }
0x5a: {  	_ =	shalt  }
0x5b: {  	_ =	shalt  }
0x5c: {  	_ =	shalt  }
0x5d: {  	_ =	shalt  }
0x5e: {  	_ =	shalt  }
0x5f: {  	_ =	shalt  }
0x60: {  	_ =	shalt  }
0x61: {  	_ =	shalt  }
0x62: {  	_ =	shalt  }
0x63: {  	_ =	shalt  }
0x64: {  	_ =	shalt  }
0x65: {  	_ =	shalt  }
0x66: {  	_ =	shalt  }
0x67: {  	_ =	shalt  }
0x68: {  	_ =	shalt  }
0x69: {  	_ =	shalt  }
0x6a: {  	_ =	shalt  }
0x6b: {  	_ =	shalt  }
0x6c: {  	_ =	shalt  }
0x6d: {  	_ =	shalt  }
0x6e: {  	_ =	shalt  }
0x6f: {  	_ =	shalt  }
0x70: {  	_ =	shalt  }
0x71: {  	_ =	shalt  }
0x72: {  	_ =	shalt  }
0x73: {  	_ =	shalt  }
0x74: {  	_ =	shalt  }
0x75: {  	_ =	shalt  }
0x76: {  	_ =	shalt  }
0x77: {  	_ =	shalt  }
0x78: {  	_ =	shalt  }
0x79: {  	_ =	shalt  }
0x7a: {  	_ =	shalt  }
0x7b: {  	_ =	shalt  }
0x7c: {  	_ =	shalt  }
0x7d: {  	_ =	shalt  }
0x7e: {  	_ =	shalt  }
0x7f: {  	_ =	shalt  }
0x80: {  	_ =	shalt  }
0x81: {  	_ =	shalt  }
0x82: {  	_ =	shalt  }
0x83: {  	_ =	shalt  }
0x84: {  	_ =	shalt  }
0x85: {  	_ =	shalt  }
0x86: {  	_ =	shalt  }
0x87: {  	_ =	shalt  }
.Lfunc_end0:
.L_simem_size_0:
called_computation.4_lowered:
.L_overlay_start_0:
0x88: {  	s2 =	sld [smem:$0x3FD9]  }
0x89: {  	s3 =	sld [smem:$0x3FFE];
	_ =	sdelay $0x1  }
0x8a: {  	s1 =	srdreg.scid  }
0x8b: {  	s0 =	sand.u32 $0x1, s1  }
0x8c: {  	s16 =	sshll.u32 s0, $0xA;
	s2 =	sadd.s32 s3, s2  }
0x8d: {  	s2 =	sadd.s32 s2, s16  }
0x8e: {  	[smem:$0x3FB8] =	sst s2  }
0x8f: {  	_ = 	snop  }
0x90: {  	(tm) =	ssettm $0x1  }
0x91: {  	s17 =	sld [smem:$0x3FFB];
	_ =	sdelay $0x3  }
0x92: {  	_ =	strace s17  }
0x93: {  	s2 =	sld [smem:$0x3FFC];
	_ =	sdelay $0x3  }
0x94: {  	_ =	strace s2  }
0x95: {  	s2 =	sld [smem:$0x3FFD];
	_ =	sdelay $0x3  }
0x96: {  	_ =	strace s2  }
0x97: {  	_ =	strace $0x8FFFFFFF  }
0x98: {  	s18 =	sld [smem:$0x3FDB];
	_ =	sdelay $0x1  }
0x99: {  	s19 =	simm.s32 $_scs_section_size  }
0x9a: {  	s4 =	simm.s32 $_size__tile_overlayer_lowered;
	s5 =	simm.s32 $_tile_overlayer_lowered  }
0x9b: {  	s22 =	simm.s32 $0x1BFF;
	s21 =	sshll.u32 s5, $0x1;
	s2 =	sadd.s32 s19, s18  }
0x9c: {  	s6 =	simm.s32 $0x0;
	s20 =	sshll.u32 s4, $0x1;
	s4 =	sadd.s32 s21, s2  }
0x9d: {  	[timem:s6], [sflag:s22] =	dma.local [hbm:s4], s20  }
0x9e: {  	_ =	swait.ge [sflag:s22], s20  }
0x9f: {  	s3 =	ssub.s32 $0x0, s20;
	[sflag:s22] =	ssyncset.done $0x0  }
0xa0: {  	[sflag:s22] =	ssyncadd.s32 s3;
	_ =	sdelay $0x1  }
0xa1: {  	s23 =	simm.s32 $0x1B8B  }
0xa2: {  	_ =	swait.ge [sflag:s23], $0x1  }
0xa3: {  	[sflag:s23] =	ssyncset.done $0x0  }
0xa4: {  	s25 =	simm.s32 $0x1B8E;
	s24 =	sld [smem:$0x3FFE];
	[sflag:s23] =	ssyncadd.s32 $0xFFFFFFFF  }
0xa5: {  	s26 =	simm.s32 $execute0_lowered;
	[smem:$0x3FD2] =	sst s25  }
0xa6: {  	s4 =	sshll.u32 s26, $0x1;
	_ =	strace $0x80000052;
	[dreg:$0x1] =	wrdreg $0xFFFFFFFF  }
0xa7: {  	s28 =	simm.s32 $_size_execute0_lowered;
	s2 =	sadd.s32 s2, s4;
	[dreg:$0x0] =	wrdreg $0x0  }
0xa8: {  	s4 =	sshll.u32 s28, $0x1;
	[dreg:$0x2] =	wrdreg s2  }
0xa9: {  	[dreg:$0x3] =	wrdreg s4  }
0xaa: {  	[dreg:$0x4] =	wrdreg $0xC0  }
0xab: {  	_ =	task [dreg:s6], $0x5FFFF  }
0xac: {  	[dreg:$0x1] =	wrdreg $0xFFFFFFFF  }
0xad: {  	[dreg:$0x0] =	wrdreg $0x60  }
0xae: {  	[dreg:$0x2] =	wrdreg s24  }
0xaf: {  	[dreg:$0x3] =	wrdreg $0x2C000  }
0xb0: {  	[dreg:$0x4] =	wrdreg $0x9  }
0xb1: {  	_ =	task.clear_ibuf [dreg:s6], $0x5FFFF;
	_ =	strace $0x90000052  }
0xb2: {  	s29 =	simm.s32 $0x9;
	_ =	strace $0x80000054  }
0xb3: {  	_ =	swait.ge [sflag:s29], $0x1  }
0xb4: {  	[sflag:s29] =	ssyncadd.s32 $0xFFFFFFFF  }
0xb5: {  	_ =	strace $0x90000054  }
0xb6: {  	_ =	sfence  }
0xb7: {  	s30 =	sld [smem:$0x0];
	_ =	sdelay $0x2  }
0xb8: {  	s31 =	sshll.u32 s1, $0xD;
	s1 =	sshrl.u32 s1, $0x2  }
0xb9: {  	s3 =	sand.u32 $0x4000, s31;
	s1 =	sadd.s32 s1, s30  }
0xba: {  	s0 =	sor.u32 s3, s0;
	s1 =	sshll.u32 s1, $0x11  }
0xbb: {  	s0 =	sor.u32 s1, s0  }
0xbc: {  	s0 =	sadd.s32 $0x8F2B, s0  }
0xbd: {  	[sflag:s0] =	ssyncadd.remote.s32 $0x1  }
0xbe: {  	_ =	sfence.sel $0xFFFF  }
0xbf: {  	[dreg:$0x0] =	wrdreg $0xFFFFFFFF;
	(pc) =	sbr.abs _section_cstart, $3  }
0xc0: {  	[dreg:$0x1] =	wrdreg $0xFFFFFFFF  }
0xc1: {  	_ =	task.clear_ibuf [dreg:s6], $0x2FFFF;
	_ =	strace $0x9FFFFFFF  }
0xc2: {  	(tm) =	ssettm $0x7FFFFFFF  }
0xc3: {  	_ =	shalt  }
tec
execute0_lowered:
.L_overlay_start_1:
0x0: {  	(tag) =	ssettag $0x1  }
0x1: {  	s5 =	rddreg [dreg:$0x0];
	s0 =	srdreg.scid  }
0x2: {  	s2 =	rddreg [dreg:$0x1];
	s1 =	stileid.u32;
	s3 =	simm.s32 $0x0  }
0x3: {  	s13 =	simm.s32 $0x400;
	s14 =	simm.s32 $0x1;
	s8 =	smul.u32 $0x2700, s1  }
0x4: {  	s15 =	simm.s32 $0x80;
	s16 =	simm.s32 $0x0;
	s26 =	smul.u32 $0x4E000, s1  }
0x5: {  	s6 =	sand.u32 $0x1, s0;
	s0 =	rddreg [dreg:$0x2];
	s30 =	smul.u32 $0x3E80, s1  }
0x6: {  	[smem:$0x7FF] =	sst s3;
	s4 =	sadd.s32 $0x8CA00, s5;
	s7 =	smul.u32 $0x3E800, s6  }
0x7: {  	s31 =	sshll.u32 s1, $0x6;
	s9 =	smul.u32 $0x27100, s6;
	s6 =	ssub.s32 $0x2, s6  }
0x8: {  	_ =	strace $0x80000053;
	s28 =	sshrl.u32 s6, $0x1;
	s29 =	sshrl.u32 s26, $0x2  }
0x9: {  	s10 =	sadd.s32 s7, s5;
	s25 =	sadd.s32 s8, s9;
	s8 =	sadd.s32 s8, s5  }
0xa: {  	s11 =	ssub.s32 s6, s28;
	s12 =	sadd.s32 s29, s2;
	s6 =	sor.u32 $0x1C02, s31  }
0xb: {  	s7 =	sadd.s32 s25, s5;
	s5 =	sadd.s32 $0xDAE00, s8;
	s9 =	sadd.s32 s30, s10  }
0xc: {  	s8 =	smax.u32 s11, $0x1;
	s10 =	sshrl.u32 s12, $0x3;
	s11 =	simm.s32 $0x2  }
0xd: {  	s12 =	simm.s32 $0x50;
	s7 =	sadd.s32 $0x102000, s7;
	s9 =	sadd.s32 $0xFA00, s9  }
.LBB2_1:
0xe: {  	[spmem:s10], [sflag:s6] =	dma.local [hbm:s5], $0x2800  }
0xf: {  	_ =	swait.ge [sflag:s11], $0x2800  }
0x10: {  	[sflag:s11] =	ssyncset.done $0x0  }
0x11: {  	[sflag:s11] =	ssyncadd.s32 $0xFFFFD800  }
0x12: {  	s17 =	sadd.s32 $0x0, s9;
	[bflag:$0x0] =	sbarrier.arrive $0xFFFF  }
0x13: {  	[tilespmem:s3], [sflag:$0x2] =	stream.linear.gather [hbm4b:s17+s3], $0x400, $0x38;
	[tilespmem:$0x1A480] =	vst v63  }
0x14: {  	_ =	swait.ge [sflag:s11], $0x400  }
0x15: {  	[sflag:s11] =	ssyncset.done $0x0  }
0x16: {  	[sflag:s11] =	ssyncadd.s32 $0xFFFFFC00  }
0x17: {  	[tilespmem:s13], [sflag:$0x1] =	stream.indirect.gather [hbm4b:s4+s12], $0x80, s3, s12, $0xb8;
	[tilespmem:$0x1A480] =	vst v63  }
0x18: {  	_ =	swait.ge [sflag:s14], $0x2800  }
0x19: {  	[sflag:s14] =	ssyncset.done $0x0  }
0x1a: {  	[sflag:s14] =	ssyncadd.s32 $0xFFFFD800  }
0x1b: {  	[spmem:s2] =	stream.indirect.scatter.add.f32 [tilespmem:s13], [sflag:$0x2], $0x80, s15, s12, $0xb8;
	[tilespmem:$0x1A480] =	vst v63  }
0x1c: {  	_ =	swait.ge [sflag:s11], $0x2800  }
0x1d: {  	s18 =	simm.s32 $0x100;
	s17 =	simm.s32 $0x80;
	[sflag:s11] =	ssyncset.done $0x0  }
.LBB2_2:
0x1e: {  	s19 =	sadd.s32 s17, s9  }
0x1f: {  	[sflag:s11] =	ssyncadd.s32 $0xFFFFD800;
	s17 =	smov.u32 s18;
	s20 =	sadd.s32 $0x80, s18  }
0x20: {  	[tilespmem:s3], [sflag:$0x2] =	stream.linear.gather [hbm4b:s19+s3], $0x400, $0x38;
	[tilespmem:$0x1A480] =	vst v63  }
0x21: {  	p0 =	sne.s32 s18, $0x3E00;
	_ =	swait.ge [sflag:s11], $0x400  }
0x22: {  	[sflag:s11] =	ssyncset.done $0x0  }
0x23: {  	[sflag:s11] =	ssyncadd.s32 $0xFFFFFC00  }
0x24: {  	[tilespmem:s13], [sflag:$0x1] =	stream.indirect.gather [hbm4b:s4+s12], $0x80, s3, s12, $0xb8;
	[tilespmem:$0x1A480] =	vst v63  }
0x25: {  	_ =	swait.ge [sflag:s14], $0x2800  }
.Ltmp0:
0x26: {  	[sflag:s14] =	ssyncset.done $0x0;
	(pc) =	sbr.rel @p0 .LBB2_2-.Ltmp0, $4  }
0x27: {  	[sflag:s14] =	ssyncadd.s32 $0xFFFFD800  }
0x28: {  	[spmem:s2] =	stream.indirect.scatter.add.f32 [tilespmem:s13], [sflag:$0x2], $0x80, s15, s12, $0xb8;
	[tilespmem:$0x1A480] =	vst v63  }
0x29: {  	_ =	swait.ge [sflag:s11], $0x2800  }
0x2a: {  	s18 =	smov.u32 s20;
	[sflag:s11] =	ssyncset.done $0x0  }
0x2b: {  	s17 =	sadd.s32 s17, s9;
	[sflag:s11] =	ssyncadd.s32 $0xFFFFD800  }
0x2c: {  	[tilespmem:s3], [sflag:$0x2] =	stream.linear.gather [hbm4b:s17+s3], $0x400, $0x38;
	[tilespmem:$0x1A480] =	vst v63  }
0x2d: {  	_ =	swait.ge [sflag:s11], $0x400  }
0x2e: {  	[sflag:s11] =	ssyncset.done $0x0  }
0x2f: {  	[sflag:s11] =	ssyncadd.s32 $0xFFFFFC00  }
0x30: {  	[tilespmem:s13], [sflag:$0x1] =	stream.indirect.gather [hbm4b:s4+s12], $0x80, s3, s12, $0xb8;
	[tilespmem:$0x1A480] =	vst v63  }
0x31: {  	_ =	swait.ge [sflag:s14], $0x2800  }
0x32: {  	[sflag:s14] =	ssyncset.done $0x0  }
0x33: {  	[sflag:s14] =	ssyncadd.s32 $0xFFFFD800  }
0x34: {  	[spmem:s2] =	stream.indirect.scatter.add.f32 [tilespmem:s13], [sflag:$0x2], $0x80, s15, s12, $0xb8;
	[tilespmem:$0x1A480] =	vst v63  }
0x35: {  	_ =	swait.ge [sflag:s11], $0x2800  }
0x36: {  	s16 =	sadd.s32 $0x1, s16;
	[sflag:s11] =	ssyncset.done $0x0  }
0x37: {  	p0 =	sne.s32 s16, s8;
	[sflag:s11] =	ssyncadd.s32 $0xFFFFD800  }
.Ltmp1:
0x38: {  	[bflag:$0x0] =	sbarrier.arrive $0xFFFF;
	(pc) =	sbr.rel @p0 .LBB2_1-.Ltmp1, $4  }
0x39: {  	[hbm:s7], [sflag:s6] =	dma.local [spmem:s10], $0x2800  }
0x3a: {  	_ =	swait.ge [sflag:s11], $0x2800  }
0x3b: {  	[sflag:s11] =	ssyncset.done $0x0  }
0x3c: {  	[sflag:s11] =	ssyncadd.s32 $0xFFFFD800  }
0x3d: {  	_ =	sfence.sel $0x180000  }
0x3e: {  	[bflag:$0x0] =	sbarrier.arrive $0xFFFF  }
0x3f: {  	p0 =	sne.s32 s1, $0x0;
	_ =	strace $0x90000053  }
0x40: {  	s0 =	sadd.s32 @!p0 $0x100000, s0;
	[bflag:$0x2] =	sbarrier.arrive $0xFFFF  }
0x41: {  	[sflag:s0] =	ssyncadd.tile.s32 @!p0 $0x1;
	_ =	shalt  }
.Lfunc_end2:
_tile_overlayer_lowered:
.L_overlay_start_2:
0x42: {  	(tag) =	ssettag $0x2  }
0x43: {  	s0 =	rddreg [dreg:$0x0];
	s2 =	stileid.u32  }
0x44: {  	s1 =	rddreg [dreg:$0x1];
	p0 =	sne.s32 s2, $0x0  }
0x45: {  	s3 =	rddreg [dreg:$0x2];
	[bflag:$0x3] =	sbarrier.arrive $0xFFFF;
	s2 =	simm.s32 @!p0 $0x1C02  }
0x46: {  	[timem:s3], [sflag:s2] =	dma.local @!p0 [hbm:s0], s1  }
0x47: {  	s0 =	simm.s32 @!p0 $0x2  }
0x48: {  	_ =	swait.ge @!p0 [sflag:s0], s1  }
0x49: {  	s1 =	ssub.s32 @!p0 $0x0, s1;
	[sflag:s0] =	ssyncset.done @!p0 $0x0  }
0x4a: {  	[sflag:s0] =	ssyncadd.s32 @!p0 s1  }
0x4b: {  	[bflag:$0x3] =	sbarrier.arrive $0xFFFF  }
0x4c: {  	_ =	shalt  }

</sc_bundles>
